<compile_context>
chip_gen: v7x
topology: tpu7x:2x2x1
jax: 0.10.2.dev20260603
libtpu: 0.0.44.dev20260713+nightly
codegen_flags: <defaults>
</compile_context>

<pallas_src>
import functools

import jax
import jax.numpy as jnp
from jax import lax
from jax.experimental import pallas as pl
from jax.experimental.pallas import tpu as pltpu
from jax.experimental.pallas import tpu_sc as plsc

T = 200
B = 4096
N = 1000000
NW = 32
SPW = 7
TPAD = NW * SPW
LANES = 16
UNROLL = 8
RED_ITERS = B // (LANES * UNROLL)

_mesh = plsc.VectorSubcoreMesh(core_axis_name="c", subcore_axis_name="s")
_CP = pltpu.CompilerParams(use_tc_tiling_on_sc=False, needs_layout_passes=False)



def _split_cols(params):
    sel = jnp.eye(2, dtype=jnp.float32)
    dot = functools.partial(jnp.dot, precision=jax.lax.Precision.HIGHEST)
    return dot(params, sel[:, 0]), dot(params, sel[:, 1])


def _flat_body(s_ref, o_ref):
    o_ref[...] = s_ref[...].reshape(8 * B)


def _flatten_steps(tot_step):
    return pl.pallas_call(
        _flat_body,
        grid=(T // 8,),
        in_specs=[pl.BlockSpec((8, B), lambda g: (g, 0))],
        out_specs=pl.BlockSpec((8 * B,), lambda g: (g,)),
        out_shape=jax.ShapeDtypeStruct((T * B,), jnp.int32),
    )(tot_step)



@functools.partial(
    pl.kernel,
    mesh=_mesh,
    compiler_params=_CP,
    out_type=jax.ShapeDtypeStruct((TPAD * 2 * LANES,), jnp.float32),
    scratch_types=[
        pltpu.VMEM((B,), jnp.int32),
        pltpu.VMEM((B,), jnp.int32),
        pltpu.VMEM((B,), jnp.float32),
        pltpu.VMEM((B,), jnp.float32),
        pltpu.VMEM((B,), jnp.float32),
        pltpu.VMEM((B,), jnp.float32),
        pltpu.VMEM((SPW * 2 * LANES,), jnp.float32),
        pltpu.SemaphoreType.DMA,
        pltpu.SemaphoreType.DMA,
        pltpu.SemaphoreType.DMA,
        pltpu.SemaphoreType.DMA,
        pltpu.SemaphoreType.DMA,
        pltpu.SemaphoreType.DMA,
    ],
)
def _gather_sum(cola_hbm, colb_hbm, steps_hbm, acc_hbm,
                idx0, idx1, a0, a1, b0, b1, buf_v,
                si0, si1, sa0, sa1, sb0, sb1):
    wid = lax.axis_index("s") * 2 + lax.axis_index("c")
    idx = (idx0, idx1)
    av = (a0, a1)
    bv = (b0, b1)
    sis = (si0, si1)
    sas = (sa0, sa1)
    sbs = (sb0, sb1)

    def tstep(k):
        return wid * SPW + k

    def fire_idx(k, slot):
        @pl.when(tstep(k) < T)
        def _():
            pltpu.async_copy(steps_hbm.at[pl.ds(tstep(k) * B, B)],
                             idx[slot], sis[slot])

    def fire_gathers(k, slot):
        @pl.when(tstep(k) < T)
        def _():
            pltpu.async_copy(cola_hbm.at[idx[slot]], av[slot], sas[slot])
            pltpu.async_copy(colb_hbm.at[idx[slot]], bv[slot], sbs[slot])

    def wait_idx(k, slot):
        @pl.when(tstep(k) < T)
        def _():
            pltpu.make_async_copy(steps_hbm.at[pl.ds(tstep(k) * B, B)],
                                  idx[slot], sis[slot]).wait()

    def reduce(ref):
        zero = jnp.zeros((LANES,), jnp.float32)

        def body(j, accs):
            base = j * (LANES * UNROLL)
            r = list(accs)
            for u in range(UNROLL):
                r[u % 4] = r[u % 4] + ref[pl.ds(base + u * LANES, LANES)]
            return tuple(r)

        accs = lax.fori_loop(0, RED_ITERS, body, (zero, zero, zero, zero))
        return (accs[0] + accs[1]) + (accs[2] + accs[3])

    fire_idx(0, 0)
    fire_idx(1, 1)
    wait_idx(0, 0)
    fire_gathers(0, 0)
    for k in range(SPW):
        cur = k % 2
        nxt = (k + 1) % 2
        if k + 1 < SPW:
            wait_idx(k + 1, nxt)
            fire_gathers(k + 1, nxt)

        @pl.when(tstep(k) < T)
        def _(k=k, cur=cur):
            pltpu.make_async_copy(cola_hbm.at[idx[cur]], av[cur],
                                  sas[cur]).wait()
            buf_v[pl.ds(k * 2 * LANES, LANES)] = reduce(av[cur])
            pltpu.make_async_copy(colb_hbm.at[idx[cur]], bv[cur],
                                  sbs[cur]).wait()
            buf_v[pl.ds(k * 2 * LANES + LANES, LANES)] = reduce(bv[cur])

        if k + 2 < SPW:
            fire_idx(k + 2, cur)
    pltpu.sync_copy(
        buf_v,
        acc_hbm.at[pl.ds(wid * (SPW * 2 * LANES), SPW * 2 * LANES)])



@functools.partial(
    pl.kernel,
    mesh=_mesh,
    compiler_params=_CP,
    out_type=jax.ShapeDtypeStruct((TPAD,), jnp.float32),
    scratch_types=[
        pltpu.VMEM((TPAD * 2 * LANES,), jnp.float32),
        pltpu.VMEM((LANES,), jnp.float32),
        pltpu.VMEM((TPAD,), jnp.float32),
    ],
)
def _recurrence(acc_hbm, m0_hbm, out_hbm, acc_v, m0_v, out_v):
    wid = lax.axis_index("s") * 2 + lax.axis_index("c")

    @pl.when(wid == 0)
    def _():
        pltpu.sync_copy(acc_hbm, acc_v)
        pltpu.sync_copy(m0_hbm, m0_v)
        lane = lax.iota(jnp.int32, LANES)
        lane0 = lane == 0
        m0 = m0_v[...][0]

        def body(t, m):
            a = jnp.sum(acc_v[pl.ds(t * 2 * LANES, LANES)])
            b = jnp.sum(acc_v[pl.ds(t * 2 * LANES + LANES, LANES)])
            m_new = a * m + b
            tt = jnp.full((LANES,), t, jnp.int32)
            plsc.store_scatter(out_v, [tt], jnp.full((LANES,), m_new),
                               mask=lane0)
            return m_new

        lax.fori_loop(0, T, body, m0)
        pltpu.sync_copy(out_v, out_hbm)


def kernel(params, tot_step, M_prev):
    cola, colb = _split_cols(params.astype(jnp.float32))
    steps = _flatten_steps(tot_step.astype(jnp.int32))
    acc = _gather_sum(cola, colb, steps)
    m0 = jnp.broadcast_to(M_prev.astype(jnp.float32), (LANES,))
    out = _recurrence(acc, m0)
    return out[:T].reshape(T, 1)

# --- scband reference (transcript-rebuilt; emitter-appended) ---
"""Pipeline reference for scband-metric-simulator-35201551958460 (READ-ONLY COPY).

The authoritative reference and input builder live on the scoring server;
editing this copy changes nothing except your own understanding.
"""

import jax, jax.numpy as jnp
import numpy as np

NUM_TRAIN_SAMPLES = 1000000
T = 200
B = 4096

def setup_inputs(seed: int = 0) -> dict:
    key = jax.random.key(seed)
    k1, k2, k3 = jax.random.split(key, 3)
    tot_step = jax.random.randint(k1, (T, B), 0, NUM_TRAIN_SAMPLES, dtype=jnp.int64 if jax.config.read('jax_enable_x64') else jnp.int32)
    M_prev = jax.random.normal(k2, (1,), dtype=jnp.float32)
    # learned parameter table [num_train_samples, 2]; torch module inits to zeros,
    # we use small random values so the recurrence is numerically non-trivial but stable
    params = jax.random.normal(k3, (NUM_TRAIN_SAMPLES, 2), dtype=jnp.float32) * 0.001
    return {"params": params, "tot_step": tot_step, "M_prev": M_prev}

def reference(params, tot_step, M_prev):
    # Faithful translation: for each step, gather per-sample params (embedding lookup),
    # sum alpha and beta over the step's samples, and apply the linear recurrence
    # pred = alpha * M_prev + beta; carry pred forward.
    def step_fn(M, idx):
        step_params = jnp.take(params, idx, axis=0)  # [B, 2] gather
        alpha_ct = step_params[:, 0].sum()
        beta_ct = step_params[:, 1].sum()
        pred_loss = alpha_ct * M + beta_ct  # [1]
        return pred_loss, pred_loss
    _, predicted_losses = jax.lax.scan(step_fn, M_prev, tot_step)  # [T, 1]
    return predicted_losses

if __name__ == "__main__":
    import jax
    _d = setup_inputs()
    print(jax.jit(kernel)(*tuple(_d.values())))

</pallas_src>

<mosaic_0001>
#map = affine_map<(d0, d1) -> (0)>
module attributes {stable_mosaic.version = 14 : i64} {
  func.func @_gather_sum(%arg0: i32, %arg1: i32, %arg2: memref<1000000xf32, #tpu.memory_space<hbm>>, %arg3: memref<1000000xf32, #tpu.memory_space<hbm>>, %arg4: memref<819200xi32, #tpu.memory_space<hbm>>, %arg5: memref<7168xf32, #tpu.memory_space<hbm>>, %arg6: memref<4096xi32, #tpu.memory_space<vmem>>, %arg7: memref<4096xi32, #tpu.memory_space<vmem>>, %arg8: memref<4096xf32, #tpu.memory_space<vmem>>, %arg9: memref<4096xf32, #tpu.memory_space<vmem>>, %arg10: memref<4096xf32, #tpu.memory_space<vmem>>, %arg11: memref<4096xf32, #tpu.memory_space<vmem>>, %arg12: memref<224xf32, #tpu.memory_space<vmem>>, %arg13: memref<!tpu.dma_semaphore, #tpu.memory_space<semaphore_mem>>, %arg14: memref<!tpu.dma_semaphore, #tpu.memory_space<semaphore_mem>>, %arg15: memref<!tpu.dma_semaphore, #tpu.memory_space<semaphore_mem>>, %arg16: memref<!tpu.dma_semaphore, #tpu.memory_space<semaphore_mem>>, %arg17: memref<!tpu.dma_semaphore, #tpu.memory_space<semaphore_mem>>, %arg18: memref<!tpu.dma_semaphore, #tpu.memory_space<semaphore_mem>>) attributes {dimension_semantics = [#tpu.dimension_semantics<core_parallel>, #tpu.dimension_semantics<subcore_parallel>], iteration_bounds = array<i64: 2, 16>, scalar_prefetch = 0 : i64, scratch_operands = 13 : i64, tpu.core_type = #tpu.core_type<sc_vector_subcore>, window_params = [{transform_indices = #map}, {transform_indices = #map}, {transform_indices = #map}, {transform_indices = #map}]} {
    %mul3A = arith.constant 2 : i32
    %mul3A_0 = arith.muli %arg1, %mul3A : i32
    %add3A = arith.addi %mul3A_0, %arg0 : i32
    %mul3A_1 = arith.constant 7 : i32
    %mul3A_2 = arith.muli %add3A, %mul3A_1 : i32
    %add3A_3 = arith.constant 0 : i32
    %add3A_4 = arith.addi %mul3A_2, %add3A_3 : i32
    %lt3A = arith.constant 200 : i32
    %lt3A_5 = arith.cmpi slt, %add3A_4, %lt3A : i32
    %convert_element_type3A = arith.extui %lt3A_5 : i1 to i32
    %cond3A = arith.constant 0 : i32
    %cond3A_6 = arith.cmpi ne, %convert_element_type3A, %cond3A : i32
    scf.if %cond3A_6 {
      %mul3A_252 = arith.constant 7 : i32
      %mul3A_253 = arith.muli %add3A, %mul3A_252 : i32
      %add3A_254 = arith.constant 0 : i32
      %add3A_255 = arith.addi %mul3A_253, %add3A_254 : i32
      %mul3A_256 = arith.constant 4096 : i32
      %mul3A_257 = arith.muli %add3A_255, %mul3A_256 : i32
      %dma_start3A = tpu.memref_slice %arg4[%mul3A_257] : memref<819200xi32, #tpu.memory_space<hbm>> -> memref<4096xi32, #tpu.memory_space<hbm>>
      %dma_start3A_258 = tpu.memref_slice %arg4[%mul3A_257] : memref<819200xi32, #tpu.memory_space<hbm>> -> memref<4096xi32, #tpu.memory_space<hbm>>
      tpu.enqueue_dma source(%dma_start3A_258 : memref<4096xi32, #tpu.memory_space<hbm>>) target(%arg6 : memref<4096xi32, #tpu.memory_space<vmem>>) target_semaphore(%arg13 : memref<!tpu.dma_semaphore, #tpu.memory_space<semaphore_mem>>)
    } else {
    }
    %mul3A_7 = arith.constant 7 : i32
    %mul3A_8 = arith.muli %add3A, %mul3A_7 : i32
    %add3A_9 = arith.constant 1 : i32
    %add3A_10 = arith.addi %mul3A_8, %add3A_9 : i32
    %lt3A_11 = arith.constant 200 : i32
    %lt3A_12 = arith.cmpi slt, %add3A_10, %lt3A_11 : i32
    %convert_element_type3A_13 = arith.extui %lt3A_12 : i1 to i32
    %cond3A_14 = arith.constant 0 : i32
    %cond3A_15 = arith.cmpi ne, %convert_element_type3A_13, %cond3A_14 : i32
    scf.if %cond3A_15 {
      %mul3A_252 = arith.constant 7 : i32
      %mul3A_253 = arith.muli %add3A, %mul3A_252 : i32
      %add3A_254 = arith.constant 1 : i32
      %add3A_255 = arith.addi %mul3A_253, %add3A_254 : i32
      %mul3A_256 = arith.constant 4096 : i32
      %mul3A_257 = arith.muli %add3A_255, %mul3A_256 : i32
      %dma_start3A = tpu.memref_slice %arg4[%mul3A_257] : memref<819200xi32, #tpu.memory_space<hbm>> -> memref<4096xi32, #tpu.memory_space<hbm>>
      %dma_start3A_258 = tpu.memref_slice %arg4[%mul3A_257] : memref<819200xi32, #tpu.memory_space<hbm>> -> memref<4096xi32, #tpu.memory_space<hbm>>
      tpu.enqueue_dma source(%dma_start3A_258 : memref<4096xi32, #tpu.memory_space<hbm>>) target(%arg7 : memref<4096xi32, #tpu.memory_space<vmem>>) target_semaphore(%arg14 : memref<!tpu.dma_semaphore, #tpu.memory_space<semaphore_mem>>)
    } else {
    }
    %mul3A_16 = arith.constant 7 : i32
    %mul3A_17 = arith.muli %add3A, %mul3A_16 : i32
    %add3A_18 = arith.constant 0 : i32
    %add3A_19 = arith.addi %mul3A_17, %add3A_18 : i32
    %lt3A_20 = arith.constant 200 : i32
    %lt3A_21 = arith.cmpi slt, %add3A_19, %lt3A_20 : i32
    %convert_element_type3A_22 = arith.extui %lt3A_21 : i1 to i32
    %cond3A_23 = arith.constant 0 : i32
    %cond3A_24 = arith.cmpi ne, %convert_element_type3A_22, %cond3A_23 : i32
    scf.if %cond3A_24 {
      %mul3A_252 = arith.constant 7 : i32
      %mul3A_253 = arith.muli %add3A, %mul3A_252 : i32
      %add3A_254 = arith.constant 0 : i32
      %add3A_255 = arith.addi %mul3A_253, %add3A_254 : i32
      %mul3A_256 = arith.constant 4096 : i32
      %mul3A_257 = arith.muli %add3A_255, %mul3A_256 : i32
      %dma_wait3A = tpu.memref_slice %arg4[%mul3A_257] : memref<819200xi32, #tpu.memory_space<hbm>> -> memref<4096xi32, #tpu.memory_space<hbm>>
      %dma_wait3A_258 = tpu.memref_slice %arg4[%mul3A_257] : memref<819200xi32, #tpu.memory_space<hbm>> -> memref<4096xi32, #tpu.memory_space<hbm>>
      tpu.wait_dma2 semaphore(%arg13 : memref<!tpu.dma_semaphore, #tpu.memory_space<semaphore_mem>>) src(%dma_wait3A_258 : memref<4096xi32, #tpu.memory_space<hbm>>) dst(%arg6 : memref<4096xi32, #tpu.memory_space<vmem>>)
    } else {
    }
    %mul3A_25 = arith.constant 7 : i32
    %mul3A_26 = arith.muli %add3A, %mul3A_25 : i32
    %add3A_27 = arith.constant 0 : i32
    %add3A_28 = arith.addi %mul3A_26, %add3A_27 : i32
    %lt3A_29 = arith.constant 200 : i32
    %lt3A_30 = arith.cmpi slt, %add3A_28, %lt3A_29 : i32
    %convert_element_type3A_31 = arith.extui %lt3A_30 : i1 to i32
    %cond3A_32 = arith.constant 0 : i32
    %cond3A_33 = arith.cmpi ne, %convert_element_type3A_31, %cond3A_32 : i32
    scf.if %cond3A_33 {
      %dma_start3A = arith.constant 0 : i32
      %dma_start3A_252 = tpu.memref_slice %arg2[%dma_start3A] : memref<1000000xf32, #tpu.memory_space<hbm>> -> memref<1000000xf32, #tpu.memory_space<hbm>>
      tpu.enqueue_indirect_dma source(%dma_start3A_252 : memref<1000000xf32, #tpu.memory_space<hbm>>) target(%arg8 : memref<4096xf32, #tpu.memory_space<vmem>>) offsets(%arg6 : memref<4096xi32, #tpu.memory_space<vmem>>) semaphore(%arg15 : memref<!tpu.dma_semaphore, #tpu.memory_space<semaphore_mem>>)
      %dma_start3A_253 = arith.constant 0 : i32
      %dma_start3A_254 = tpu.memref_slice %arg3[%dma_start3A_253] : memref<1000000xf32, #tpu.memory_space<hbm>> -> memref<1000000xf32, #tpu.memory_space<hbm>>
      tpu.enqueue_indirect_dma source(%dma_start3A_254 : memref<1000000xf32, #tpu.memory_space<hbm>>) target(%arg10 : memref<4096xf32, #tpu.memory_space<vmem>>) offsets(%arg6 : memref<4096xi32, #tpu.memory_space<vmem>>) semaphore(%arg17 : memref<!tpu.dma_semaphore, #tpu.memory_space<semaphore_mem>>)
    } else {
    }
    %mul3A_34 = arith.constant 7 : i32
    %mul3A_35 = arith.muli %add3A, %mul3A_34 : i32
    %add3A_36 = arith.constant 1 : i32
    %add3A_37 = arith.addi %mul3A_35, %add3A_36 : i32
    %lt3A_38 = arith.constant 200 : i32
    %lt3A_39 = arith.cmpi slt, %add3A_37, %lt3A_38 : i32
    %convert_element_type3A_40 = arith.extui %lt3A_39 : i1 to i32
    %cond3A_41 = arith.constant 0 : i32
    %cond3A_42 = arith.cmpi ne, %convert_element_type3A_40, %cond3A_41 : i32
    scf.if %cond3A_42 {
      %mul3A_252 = arith.constant 7 : i32
      %mul3A_253 = arith.muli %add3A, %mul3A_252 : i32
      %add3A_254 = arith.constant 1 : i32
      %add3A_255 = arith.addi %mul3A_253, %add3A_254 : i32
      %mul3A_256 = arith.constant 4096 : i32
      %mul3A_257 = arith.muli %add3A_255, %mul3A_256 : i32
      %dma_wait3A = tpu.memref_slice %arg4[%mul3A_257] : memref<819200xi32, #tpu.memory_space<hbm>> -> memref<4096xi32, #tpu.memory_space<hbm>>
      %dma_wait3A_258 = tpu.memref_slice %arg4[%mul3A_257] : memref<819200xi32, #tpu.memory_space<hbm>> -> memref<4096xi32, #tpu.memory_space<hbm>>
      tpu.wait_dma2 semaphore(%arg14 : memref<!tpu.dma_semaphore, #tpu.memory_space<semaphore_mem>>) src(%dma_wait3A_258 : memref<4096xi32, #tpu.memory_space<hbm>>) dst(%arg7 : memref<4096xi32, #tpu.memory_space<vmem>>)
    } else {
    }
    %mul3A_43 = arith.constant 7 : i32
    %mul3A_44 = arith.muli %add3A, %mul3A_43 : i32
    %add3A_45 = arith.constant 1 : i32
    %add3A_46 = arith.addi %mul3A_44, %add3A_45 : i32
    %lt3A_47 = arith.constant 200 : i32
    %lt3A_48 = arith.cmpi slt, %add3A_46, %lt3A_47 : i32
    %convert_element_type3A_49 = arith.extui %lt3A_48 : i1 to i32
    %cond3A_50 = arith.constant 0 : i32
    %cond3A_51 = arith.cmpi ne, %convert_element_type3A_49, %cond3A_50 : i32
    scf.if %cond3A_51 {
      %dma_start3A = arith.constant 0 : i32
      %dma_start3A_252 = tpu.memref_slice %arg2[%dma_start3A] : memref<1000000xf32, #tpu.memory_space<hbm>> -> memref<1000000xf32, #tpu.memory_space<hbm>>
      tpu.enqueue_indirect_dma source(%dma_start3A_252 : memref<1000000xf32, #tpu.memory_space<hbm>>) target(%arg9 : memref<4096xf32, #tpu.memory_space<vmem>>) offsets(%arg7 : memref<4096xi32, #tpu.memory_space<vmem>>) semaphore(%arg16 : memref<!tpu.dma_semaphore, #tpu.memory_space<semaphore_mem>>)
      %dma_start3A_253 = arith.constant 0 : i32
      %dma_start3A_254 = tpu.memref_slice %arg3[%dma_start3A_253] : memref<1000000xf32, #tpu.memory_space<hbm>> -> memref<1000000xf32, #tpu.memory_space<hbm>>
      tpu.enqueue_indirect_dma source(%dma_start3A_254 : memref<1000000xf32, #tpu.memory_space<hbm>>) target(%arg11 : memref<4096xf32, #tpu.memory_space<vmem>>) offsets(%arg7 : memref<4096xi32, #tpu.memory_space<vmem>>) semaphore(%arg18 : memref<!tpu.dma_semaphore, #tpu.memory_space<semaphore_mem>>)
    } else {
    }
    %mul3A_52 = arith.constant 7 : i32
    %mul3A_53 = arith.muli %add3A, %mul3A_52 : i32
    %add3A_54 = arith.constant 0 : i32
    %add3A_55 = arith.addi %mul3A_53, %add3A_54 : i32
    %lt3A_56 = arith.constant 200 : i32
    %lt3A_57 = arith.cmpi slt, %add3A_55, %lt3A_56 : i32
    %convert_element_type3A_58 = arith.extui %lt3A_57 : i1 to i32
    %cond3A_59 = arith.constant 0 : i32
    %cond3A_60 = arith.cmpi ne, %convert_element_type3A_58, %cond3A_59 : i32
    scf.if %cond3A_60 {
      %dma_wait3A = arith.constant 0 : i32
      %dma_wait3A_252 = tpu.memref_slice %arg2[%dma_wait3A] : memref<1000000xf32, #tpu.memory_space<hbm>> -> memref<1000000xf32, #tpu.memory_space<hbm>>
      tpu.wait_indirect_dma semaphore(%arg15 : memref<!tpu.dma_semaphore, #tpu.memory_space<semaphore_mem>>) src(%dma_wait3A_252 : memref<1000000xf32, #tpu.memory_space<hbm>>) dst(%arg8 : memref<4096xf32, #tpu.memory_space<vmem>>)
      %broadcast_in_dim3A = arith.constant 0.000000e+00 : f32
      %broadcast_in_dim3A_253 = vector.broadcast %broadcast_in_dim3A : f32 to vector<16xf32>
      %scan3A = arith.constant 0 : i32
      %scan3A_254 = arith.constant 32 : i32
      %scan3A_255 = arith.addi %scan3A, %scan3A_254 : i32
      %scan3A_256 = arith.constant 1 : i32
      %scan3A_257:4 = scf.for %scan3A_278 = %scan3A to %scan3A_255 step %scan3A_256 iter_args(%scan3A_279 = %broadcast_in_dim3A_253, %scan3A_280 = %broadcast_in_dim3A_253, %scan3A_281 = %broadcast_in_dim3A_253, %scan3A_282 = %broadcast_in_dim3A_253) -> (vector<16xf32>, vector<16xf32>, vector<16xf32>, vector<16xf32>)  : i32 {
        %mul3A_283 = arith.constant 128 : i32
        %mul3A_284 = arith.muli %scan3A_278, %mul3A_283 : i32
        %add3A_285 = arith.constant 0 : i32
        %add3A_286 = arith.addi %mul3A_284, %add3A_285 : i32
        %get3A = arith.index_cast %add3A_286 : i32 to index
        %get3A_287 = tpu.vector_load %arg8[%get3A] {strides = array<i32>} : memref<4096xf32, #tpu.memory_space<vmem>>, vector<16xf32>,
        %add3A_288 = arith.addf %scan3A_279, %get3A_287 : vector<16xf32>
        %add3A_289 = arith.constant 16 : i32
        %add3A_290 = arith.addi %mul3A_284, %add3A_289 : i32
        %get3A_291 = arith.index_cast %add3A_290 : i32 to index
        %get3A_292 = tpu.vector_load %arg8[%get3A_291] {strides = array<i32>} : memref<4096xf32, #tpu.memory_space<vmem>>, vector<16xf32>,
        %add3A_293 = arith.addf %scan3A_280, %get3A_292 : vector<16xf32>
        %add3A_294 = arith.constant 32 : i32
        %add3A_295 = arith.addi %mul3A_284, %add3A_294 : i32
        %get3A_296 = arith.index_cast %add3A_295 : i32 to index
        %get3A_297 = tpu.vector_load %arg8[%get3A_296] {strides = array<i32>} : memref<4096xf32, #tpu.memory_space<vmem>>, vector<16xf32>,
        %add3A_298 = arith.addf %scan3A_281, %get3A_297 : vector<16xf32>
        %add3A_299 = arith.constant 48 : i32
        %add3A_300 = arith.addi %mul3A_284, %add3A_299 : i32
        %get3A_301 = arith.index_cast %add3A_300 : i32 to index
        %get3A_302 = tpu.vector_load %arg8[%get3A_301] {strides = array<i32>} : memref<4096xf32, #tpu.memory_space<vmem>>, vector<16xf32>,
        %add3A_303 = arith.addf %scan3A_282, %get3A_302 : vector<16xf32>
        %add3A_304 = arith.constant 64 : i32
        %add3A_305 = arith.addi %mul3A_284, %add3A_304 : i32
        %get3A_306 = arith.index_cast %add3A_305 : i32 to index
        %get3A_307 = tpu.vector_load %arg8[%get3A_306] {strides = array<i32>} : memref<4096xf32, #tpu.memory_space<vmem>>, vector<16xf32>,
        %add3A_308 = arith.addf %add3A_288, %get3A_307 : vector<16xf32>
        %add3A_309 = arith.constant 80 : i32
        %add3A_310 = arith.addi %mul3A_284, %add3A_309 : i32
        %get3A_311 = arith.index_cast %add3A_310 : i32 to index
        %get3A_312 = tpu.vector_load %arg8[%get3A_311] {strides = array<i32>} : memref<4096xf32, #tpu.memory_space<vmem>>, vector<16xf32>,
        %add3A_313 = arith.addf %add3A_293, %get3A_312 : vector<16xf32>
        %add3A_314 = arith.constant 96 : i32
        %add3A_315 = arith.addi %mul3A_284, %add3A_314 : i32
        %get3A_316 = arith.index_cast %add3A_315 : i32 to index
        %get3A_317 = tpu.vector_load %arg8[%get3A_316] {strides = array<i32>} : memref<4096xf32, #tpu.memory_space<vmem>>, vector<16xf32>,
        %add3A_318 = arith.addf %add3A_298, %get3A_317 : vector<16xf32>
        %add3A_319 = arith.constant 112 : i32
        %add3A_320 = arith.addi %mul3A_284, %add3A_319 : i32
        %get3A_321 = arith.index_cast %add3A_320 : i32 to index
        %get3A_322 = tpu.vector_load %arg8[%get3A_321] {strides = array<i32>} : memref<4096xf32, #tpu.memory_space<vmem>>, vector<16xf32>,
        %add3A_323 = arith.addf %add3A_303, %get3A_322 : vector<16xf32>
        scf.yield %add3A_308, %add3A_313, %add3A_318, %add3A_323 : vector<16xf32>, vector<16xf32>, vector<16xf32>, vector<16xf32>
      }
      %scan3A_258 = arith.constant 32 : i32
      %add3A_259 = arith.addf %scan3A_257#0, %scan3A_257#1 : vector<16xf32>
      %add3A_260 = arith.addf %scan3A_257#2, %scan3A_257#3 : vector<16xf32>
      %add3A_261 = arith.addf %add3A_259, %add3A_260 : vector<16xf32>
      %swap3A = arith.constant 0 : index
      %swap3A_262 = tpu.vector_load %arg12[%swap3A] {strides = array<i32>} : memref<224xf32, #tpu.memory_space<vmem>>, vector<16xf32>,
      tpu.vector_store %arg12[%swap3A], %add3A_261 {strides = array<i32>} : memref<224xf32, #tpu.memory_space<vmem>>, vector<16xf32>,
      %dma_wait3A_263 = arith.constant 0 : i32
      %dma_wait3A_264 = tpu.memref_slice %arg3[%dma_wait3A_263] : memref<1000000xf32, #tpu.memory_space<hbm>> -> memref<1000000xf32, #tpu.memory_space<hbm>>
      tpu.wait_indirect_dma semaphore(%arg17 : memref<!tpu.dma_semaphore, #tpu.memory_space<semaphore_mem>>) src(%dma_wait3A_264 : memref<1000000xf32, #tpu.memory_space<hbm>>) dst(%arg10 : memref<4096xf32, #tpu.memory_space<vmem>>)
      %broadcast_in_dim3A_265 = arith.constant 0.000000e+00 : f32
      %broadcast_in_dim3A_266 = vector.broadcast %broadcast_in_dim3A_265 : f32 to vector<16xf32>
      %scan3A_267 = arith.constant 0 : i32
      %scan3A_268 = arith.constant 32 : i32
      %scan3A_269 = arith.addi %scan3A_267, %scan3A_268 : i32
      %scan3A_270 = arith.constant 1 : i32
      %scan3A_271:4 = scf.for %scan3A_278 = %scan3A_267 to %scan3A_269 step %scan3A_270 iter_args(%scan3A_279 = %broadcast_in_dim3A_266, %scan3A_280 = %broadcast_in_dim3A_266, %scan3A_281 = %broadcast_in_dim3A_266, %scan3A_282 = %broadcast_in_dim3A_266) -> (vector<16xf32>, vector<16xf32>, vector<16xf32>, vector<16xf32>)  : i32 {
        %mul3A_283 = arith.constant 128 : i32
        %mul3A_284 = arith.muli %scan3A_278, %mul3A_283 : i32
        %add3A_285 = arith.constant 0 : i32
        %add3A_286 = arith.addi %mul3A_284, %add3A_285 : i32
        %get3A = arith.index_cast %add3A_286 : i32 to index
        %get3A_287 = tpu.vector_load %arg10[%get3A] {strides = array<i32>} : memref<4096xf32, #tpu.memory_space<vmem>>, vector<16xf32>,
        %add3A_288 = arith.addf %scan3A_279, %get3A_287 : vector<16xf32>
        %add3A_289 = arith.constant 16 : i32
        %add3A_290 = arith.addi %mul3A_284, %add3A_289 : i32
        %get3A_291 = arith.index_cast %add3A_290 : i32 to index
        %get3A_292 = tpu.vector_load %arg10[%get3A_291] {strides = array<i32>} : memref<4096xf32, #tpu.memory_space<vmem>>, vector<16xf32>,
        %add3A_293 = arith.addf %scan3A_280, %get3A_292 : vector<16xf32>
        %add3A_294 = arith.constant 32 : i32
        %add3A_295 = arith.addi %mul3A_284, %add3A_294 : i32
        %get3A_296 = arith.index_cast %add3A_295 : i32 to index
        %get3A_297 = tpu.vector_load %arg10[%get3A_296] {strides = array<i32>} : memref<4096xf32, #tpu.memory_space<vmem>>, vector<16xf32>,
        %add3A_298 = arith.addf %scan3A_281, %get3A_297 : vector<16xf32>
        %add3A_299 = arith.constant 48 : i32
        %add3A_300 = arith.addi %mul3A_284, %add3A_299 : i32
        %get3A_301 = arith.index_cast %add3A_300 : i32 to index
        %get3A_302 = tpu.vector_load %arg10[%get3A_301] {strides = array<i32>} : memref<4096xf32, #tpu.memory_space<vmem>>, vector<16xf32>,
        %add3A_303 = arith.addf %scan3A_282, %get3A_302 : vector<16xf32>
        %add3A_304 = arith.constant 64 : i32
        %add3A_305 = arith.addi %mul3A_284, %add3A_304 : i32
        %get3A_306 = arith.index_cast %add3A_305 : i32 to index
        %get3A_307 = tpu.vector_load %arg10[%get3A_306] {strides = array<i32>} : memref<4096xf32, #tpu.memory_space<vmem>>, vector<16xf32>,
        %add3A_308 = arith.addf %add3A_288, %get3A_307 : vector<16xf32>
        %add3A_309 = arith.constant 80 : i32
        %add3A_310 = arith.addi %mul3A_284, %add3A_309 : i32
        %get3A_311 = arith.index_cast %add3A_310 : i32 to index
        %get3A_312 = tpu.vector_load %arg10[%get3A_311] {strides = array<i32>} : memref<4096xf32, #tpu.memory_space<vmem>>, vector<16xf32>,
        %add3A_313 = arith.addf %add3A_293, %get3A_312 : vector<16xf32>
        %add3A_314 = arith.constant 96 : i32
        %add3A_315 = arith.addi %mul3A_284, %add3A_314 : i32
        %get3A_316 = arith.index_cast %add3A_315 : i32 to index
        %get3A_317 = tpu.vector_load %arg10[%get3A_316] {strides = array<i32>} : memref<4096xf32, #tpu.memory_space<vmem>>, vector<16xf32>,
        %add3A_318 = arith.addf %add3A_298, %get3A_317 : vector<16xf32>
        %add3A_319 = arith.constant 112 : i32
        %add3A_320 = arith.addi %mul3A_284, %add3A_319 : i32
        %get3A_321 = arith.index_cast %add3A_320 : i32 to index
        %get3A_322 = tpu.vector_load %arg10[%get3A_321] {strides = array<i32>} : memref<4096xf32, #tpu.memory_space<vmem>>, vector<16xf32>,
        %add3A_323 = arith.addf %add3A_303, %get3A_322 : vector<16xf32>
        scf.yield %add3A_308, %add3A_313, %add3A_318, %add3A_323 : vector<16xf32>, vector<16xf32>, vector<16xf32>, vector<16xf32>
      }
      %scan3A_272 = arith.constant 32 : i32
      %add3A_273 = arith.addf %scan3A_271#0, %scan3A_271#1 : vector<16xf32>
      %add3A_274 = arith.addf %scan3A_271#2, %scan3A_271#3 : vector<16xf32>
      %add3A_275 = arith.addf %add3A_273, %add3A_274 : vector<16xf32>
      %swap3A_276 = arith.constant 16 : index
      %swap3A_277 = tpu.vector_load %arg12[%swap3A_276] {strides = array<i32>} : memref<224xf32, #tpu.memory_space<vmem>>, vector<16xf32>,
      tpu.vector_store %arg12[%swap3A_276], %add3A_275 {strides = array<i32>} : memref<224xf32, #tpu.memory_space<vmem>>, vector<16xf32>,
    } else {
    }
    %mul3A_61 = arith.constant 7 : i32
    %mul3A_62 = arith.muli %add3A, %mul3A_61 : i32
    %add3A_63 = arith.constant 2 : i32
    %add3A_64 = arith.addi %mul3A_62, %add3A_63 : i32
    %lt3A_65 = arith.constant 200 : i32
    %lt3A_66 = arith.cmpi slt, %add3A_64, %lt3A_65 : i32
    %convert_element_type3A_67 = arith.extui %lt3A_66 : i1 to i32
    %cond3A_68 = arith.constant 0 : i32
    %cond3A_69 = arith.cmpi ne, %convert_element_type3A_67, %cond3A_68 : i32
    scf.if %cond3A_69 {
      %mul3A_252 = arith.constant 7 : i32
      %mul3A_253 = arith.muli %add3A, %mul3A_252 : i32
      %add3A_254 = arith.constant 2 : i32
      %add3A_255 = arith.addi %mul3A_253, %add3A_254 : i32
      %mul3A_256 = arith.constant 4096 : i32
      %mul3A_257 = arith.muli %add3A_255, %mul3A_256 : i32
      %dma_start3A = tpu.memref_slice %arg4[%mul3A_257] : memref<819200xi32, #tpu.memory_space<hbm>> -> memref<4096xi32, #tpu.memory_space<hbm>>
      %dma_start3A_258 = tpu.memref_slice %arg4[%mul3A_257] : memref<819200xi32, #tpu.memory_space<hbm>> -> memref<4096xi32, #tpu.memory_space<hbm>>
      tpu.enqueue_dma source(%dma_start3A_258 : memref<4096xi32, #tpu.memory_space<hbm>>) target(%arg6 : memref<4096xi32, #tpu.memory_space<vmem>>) target_semaphore(%arg13 : memref<!tpu.dma_semaphore, #tpu.memory_space<semaphore_mem>>)
    } else {
    }
    %mul3A_70 = arith.constant 7 : i32
    %mul3A_71 = arith.muli %add3A, %mul3A_70 : i32
    %add3A_72 = arith.constant 2 : i32
    %add3A_73 = arith.addi %mul3A_71, %add3A_72 : i32
    %lt3A_74 = arith.constant 200 : i32
    %lt3A_75 = arith.cmpi slt, %add3A_73, %lt3A_74 : i32
    %convert_element_type3A_76 = arith.extui %lt3A_75 : i1 to i32
    %cond3A_77 = arith.constant 0 : i32
    %cond3A_78 = arith.cmpi ne, %convert_element_type3A_76, %cond3A_77 : i32
    scf.if %cond3A_78 {
      %mul3A_252 = arith.constant 7 : i32
      %mul3A_253 = arith.muli %add3A, %mul3A_252 : i32
      %add3A_254 = arith.constant 2 : i32
      %add3A_255 = arith.addi %mul3A_253, %add3A_254 : i32
      %mul3A_256 = arith.constant 4096 : i32
      %mul3A_257 = arith.muli %add3A_255, %mul3A_256 : i32
      %dma_wait3A = tpu.memref_slice %arg4[%mul3A_257] : memref<819200xi32, #tpu.memory_space<hbm>> -> memref<4096xi32, #tpu.memory_space<hbm>>
      %dma_wait3A_258 = tpu.memref_slice %arg4[%mul3A_257] : memref<819200xi32, #tpu.memory_space<hbm>> -> memref<4096xi32, #tpu.memory_space<hbm>>
      tpu.wait_dma2 semaphore(%arg13 : memref<!tpu.dma_semaphore, #tpu.memory_space<semaphore_mem>>) src(%dma_wait3A_258 : memref<4096xi32, #tpu.memory_space<hbm>>) dst(%arg6 : memref<4096xi32, #tpu.memory_space<vmem>>)
    } else {
    }
    %mul3A_79 = arith.constant 7 : i32
    %mul3A_80 = arith.muli %add3A, %mul3A_79 : i32
    %add3A_81 = arith.constant 2 : i32
    %add3A_82 = arith.addi %mul3A_80, %add3A_81 : i32
    %lt3A_83 = arith.constant 200 : i32
    %lt3A_84 = arith.cmpi slt, %add3A_82, %lt3A_83 : i32
    %convert_element_type3A_85 = arith.extui %lt3A_84 : i1 to i32
    %cond3A_86 = arith.constant 0 : i32
    %cond3A_87 = arith.cmpi ne, %convert_element_type3A_85, %cond3A_86 : i32
    scf.if %cond3A_87 {
      %dma_start3A = arith.constant 0 : i32
      %dma_start3A_252 = tpu.memref_slice %arg2[%dma_start3A] : memref<1000000xf32, #tpu.memory_space<hbm>> -> memref<1000000xf32, #tpu.memory_space<hbm>>
      tpu.enqueue_indirect_dma source(%dma_start3A_252 : memref<1000000xf32, #tpu.memory_space<hbm>>) target(%arg8 : memref<4096xf32, #tpu.memory_space<vmem>>) offsets(%arg6 : memref<4096xi32, #tpu.memory_space<vmem>>) semaphore(%arg15 : memref<!tpu.dma_semaphore, #tpu.memory_space<semaphore_mem>>)
      %dma_start3A_253 = arith.constant 0 : i32
      %dma_start3A_254 = tpu.memref_slice %arg3[%dma_start3A_253] : memref<1000000xf32, #tpu.memory_space<hbm>> -> memref<1000000xf32, #tpu.memory_space<hbm>>
      tpu.enqueue_indirect_dma source(%dma_start3A_254 : memref<1000000xf32, #tpu.memory_space<hbm>>) target(%arg10 : memref<4096xf32, #tpu.memory_space<vmem>>) offsets(%arg6 : memref<4096xi32, #tpu.memory_space<vmem>>) semaphore(%arg17 : memref<!tpu.dma_semaphore, #tpu.memory_space<semaphore_mem>>)
    } else {
    }
    %mul3A_88 = arith.constant 7 : i32
    %mul3A_89 = arith.muli %add3A, %mul3A_88 : i32
    %add3A_90 = arith.constant 1 : i32
    %add3A_91 = arith.addi %mul3A_89, %add3A_90 : i32
    %lt3A_92 = arith.constant 200 : i32
    %lt3A_93 = arith.cmpi slt, %add3A_91, %lt3A_92 : i32
    %convert_element_type3A_94 = arith.extui %lt3A_93 : i1 to i32
    %cond3A_95 = arith.constant 0 : i32
    %cond3A_96 = arith.cmpi ne, %convert_element_type3A_94, %cond3A_95 : i32
    scf.if %cond3A_96 {
      %dma_wait3A = arith.constant 0 : i32
      %dma_wait3A_252 = tpu.memref_slice %arg2[%dma_wait3A] : memref<1000000xf32, #tpu.memory_space<hbm>> -> memref<1000000xf32, #tpu.memory_space<hbm>>
      tpu.wait_indirect_dma semaphore(%arg16 : memref<!tpu.dma_semaphore, #tpu.memory_space<semaphore_mem>>) src(%dma_wait3A_252 : memref<1000000xf32, #tpu.memory_space<hbm>>) dst(%arg9 : memref<4096xf32, #tpu.memory_space<vmem>>)
      %broadcast_in_dim3A = arith.constant 0.000000e+00 : f32
      %broadcast_in_dim3A_253 = vector.broadcast %broadcast_in_dim3A : f32 to vector<16xf32>
      %scan3A = arith.constant 0 : i32
      %scan3A_254 = arith.constant 32 : i32
      %scan3A_255 = arith.addi %scan3A, %scan3A_254 : i32
      %scan3A_256 = arith.constant 1 : i32
      %scan3A_257:4 = scf.for %scan3A_278 = %scan3A to %scan3A_255 step %scan3A_256 iter_args(%scan3A_279 = %broadcast_in_dim3A_253, %scan3A_280 = %broadcast_in_dim3A_253, %scan3A_281 = %broadcast_in_dim3A_253, %scan3A_282 = %broadcast_in_dim3A_253) -> (vector<16xf32>, vector<16xf32>, vector<16xf32>, vector<16xf32>)  : i32 {
        %mul3A_283 = arith.constant 128 : i32
        %mul3A_284 = arith.muli %scan3A_278, %mul3A_283 : i32
        %add3A_285 = arith.constant 0 : i32
        %add3A_286 = arith.addi %mul3A_284, %add3A_285 : i32
        %get3A = arith.index_cast %add3A_286 : i32 to index
        %get3A_287 = tpu.vector_load %arg9[%get3A] {strides = array<i32>} : memref<4096xf32, #tpu.memory_space<vmem>>, vector<16xf32>,
        %add3A_288 = arith.addf %scan3A_279, %get3A_287 : vector<16xf32>
        %add3A_289 = arith.constant 16 : i32
        %add3A_290 = arith.addi %mul3A_284, %add3A_289 : i32
        %get3A_291 = arith.index_cast %add3A_290 : i32 to index
        %get3A_292 = tpu.vector_load %arg9[%get3A_291] {strides = array<i32>} : memref<4096xf32, #tpu.memory_space<vmem>>, vector<16xf32>,
        %add3A_293 = arith.addf %scan3A_280, %get3A_292 : vector<16xf32>
        %add3A_294 = arith.constant 32 : i32
        %add3A_295 = arith.addi %mul3A_284, %add3A_294 : i32
        %get3A_296 = arith.index_cast %add3A_295 : i32 to index
        %get3A_297 = tpu.vector_load %arg9[%get3A_296] {strides = array<i32>} : memref<4096xf32, #tpu.memory_space<vmem>>, vector<16xf32>,
        %add3A_298 = arith.addf %scan3A_281, %get3A_297 : vector<16xf32>
        %add3A_299 = arith.constant 48 : i32
        %add3A_300 = arith.addi %mul3A_284, %add3A_299 : i32
        %get3A_301 = arith.index_cast %add3A_300 : i32 to index
        %get3A_302 = tpu.vector_load %arg9[%get3A_301] {strides = array<i32>} : memref<4096xf32, #tpu.memory_space<vmem>>, vector<16xf32>,
        %add3A_303 = arith.addf %scan3A_282, %get3A_302 : vector<16xf32>
        %add3A_304 = arith.constant 64 : i32
        %add3A_305 = arith.addi %mul3A_284, %add3A_304 : i32
        %get3A_306 = arith.index_cast %add3A_305 : i32 to index
        %get3A_307 = tpu.vector_load %arg9[%get3A_306] {strides = array<i32>} : memref<4096xf32, #tpu.memory_space<vmem>>, vector<16xf32>,
        %add3A_308 = arith.addf %add3A_288, %get3A_307 : vector<16xf32>
        %add3A_309 = arith.constant 80 : i32
        %add3A_310 = arith.addi %mul3A_284, %add3A_309 : i32
        %get3A_311 = arith.index_cast %add3A_310 : i32 to index
        %get3A_312 = tpu.vector_load %arg9[%get3A_311] {strides = array<i32>} : memref<4096xf32, #tpu.memory_space<vmem>>, vector<16xf32>,
        %add3A_313 = arith.addf %add3A_293, %get3A_312 : vector<16xf32>
        %add3A_314 = arith.constant 96 : i32
        %add3A_315 = arith.addi %mul3A_284, %add3A_314 : i32
        %get3A_316 = arith.index_cast %add3A_315 : i32 to index
        %get3A_317 = tpu.vector_load %arg9[%get3A_316] {strides = array<i32>} : memref<4096xf32, #tpu.memory_space<vmem>>, vector<16xf32>,
        %add3A_318 = arith.addf %add3A_298, %get3A_317 : vector<16xf32>
        %add3A_319 = arith.constant 112 : i32
        %add3A_320 = arith.addi %mul3A_284, %add3A_319 : i32
        %get3A_321 = arith.index_cast %add3A_320 : i32 to index
        %get3A_322 = tpu.vector_load %arg9[%get3A_321] {strides = array<i32>} : memref<4096xf32, #tpu.memory_space<vmem>>, vector<16xf32>,
        %add3A_323 = arith.addf %add3A_303, %get3A_322 : vector<16xf32>
        scf.yield %add3A_308, %add3A_313, %add3A_318, %add3A_323 : vector<16xf32>, vector<16xf32>, vector<16xf32>, vector<16xf32>
      }
      %scan3A_258 = arith.constant 32 : i32
      %add3A_259 = arith.addf %scan3A_257#0, %scan3A_257#1 : vector<16xf32>
      %add3A_260 = arith.addf %scan3A_257#2, %scan3A_257#3 : vector<16xf32>
      %add3A_261 = arith.addf %add3A_259, %add3A_260 : vector<16xf32>
      %swap3A = arith.constant 32 : index
      %swap3A_262 = tpu.vector_load %arg12[%swap3A] {strides = array<i32>} : memref<224xf32, #tpu.memory_space<vmem>>, vector<16xf32>,
      tpu.vector_store %arg12[%swap3A], %add3A_261 {strides = array<i32>} : memref<224xf32, #tpu.memory_space<vmem>>, vector<16xf32>,
      %dma_wait3A_263 = arith.constant 0 : i32
      %dma_wait3A_264 = tpu.memref_slice %arg3[%dma_wait3A_263] : memref<1000000xf32, #tpu.memory_space<hbm>> -> memref<1000000xf32, #tpu.memory_space<hbm>>
      tpu.wait_indirect_dma semaphore(%arg18 : memref<!tpu.dma_semaphore, #tpu.memory_space<semaphore_mem>>) src(%dma_wait3A_264 : memref<1000000xf32, #tpu.memory_space<hbm>>) dst(%arg11 : memref<4096xf32, #tpu.memory_space<vmem>>)
      %broadcast_in_dim3A_265 = arith.constant 0.000000e+00 : f32
      %broadcast_in_dim3A_266 = vector.broadcast %broadcast_in_dim3A_265 : f32 to vector<16xf32>
      %scan3A_267 = arith.constant 0 : i32
      %scan3A_268 = arith.constant 32 : i32
      %scan3A_269 = arith.addi %scan3A_267, %scan3A_268 : i32
      %scan3A_270 = arith.constant 1 : i32
      %scan3A_271:4 = scf.for %scan3A_278 = %scan3A_267 to %scan3A_269 step %scan3A_270 iter_args(%scan3A_279 = %broadcast_in_dim3A_266, %scan3A_280 = %broadcast_in_dim3A_266, %scan3A_281 = %broadcast_in_dim3A_266, %scan3A_282 = %broadcast_in_dim3A_266) -> (vector<16xf32>, vector<16xf32>, vector<16xf32>, vector<16xf32>)  : i32 {
        %mul3A_283 = arith.constant 128 : i32
        %mul3A_284 = arith.muli %scan3A_278, %mul3A_283 : i32
        %add3A_285 = arith.constant 0 : i32
        %add3A_286 = arith.addi %mul3A_284, %add3A_285 : i32
        %get3A = arith.index_cast %add3A_286 : i32 to index
        %get3A_287 = tpu.vector_load %arg11[%get3A] {strides = array<i32>} : memref<4096xf32, #tpu.memory_space<vmem>>, vector<16xf32>,
        %add3A_288 = arith.addf %scan3A_279, %get3A_287 : vector<16xf32>
        %add3A_289 = arith.constant 16 : i32
        %add3A_290 = arith.addi %mul3A_284, %add3A_289 : i32
        %get3A_291 = arith.index_cast %add3A_290 : i32 to index
        %get3A_292 = tpu.vector_load %arg11[%get3A_291] {strides = array<i32>} : memref<4096xf32, #tpu.memory_space<vmem>>, vector<16xf32>,
        %add3A_293 = arith.addf %scan3A_280, %get3A_292 : vector<16xf32>
        %add3A_294 = arith.constant 32 : i32
        %add3A_295 = arith.addi %mul3A_284, %add3A_294 : i32
        %get3A_296 = arith.index_cast %add3A_295 : i32 to index
        %get3A_297 = tpu.vector_load %arg11[%get3A_296] {strides = array<i32>} : memref<4096xf32, #tpu.memory_space<vmem>>, vector<16xf32>,
        %add3A_298 = arith.addf %scan3A_281, %get3A_297 : vector<16xf32>
        %add3A_299 = arith.constant 48 : i32
        %add3A_300 = arith.addi %mul3A_284, %add3A_299 : i32
        %get3A_301 = arith.index_cast %add3A_300 : i32 to index
        %get3A_302 = tpu.vector_load %arg11[%get3A_301] {strides = array<i32>} : memref<4096xf32, #tpu.memory_space<vmem>>, vector<16xf32>,
        %add3A_303 = arith.addf %scan3A_282, %get3A_302 : vector<16xf32>
        %add3A_304 = arith.constant 64 : i32
        %add3A_305 = arith.addi %mul3A_284, %add3A_304 : i32
        %get3A_306 = arith.index_cast %add3A_305 : i32 to index
        %get3A_307 = tpu.vector_load %arg11[%get3A_306] {strides = array<i32>} : memref<4096xf32, #tpu.memory_space<vmem>>, vector<16xf32>,
        %add3A_308 = arith.addf %add3A_288, %get3A_307 : vector<16xf32>
        %add3A_309 = arith.constant 80 : i32
        %add3A_310 = arith.addi %mul3A_284, %add3A_309 : i32
        %get3A_311 = arith.index_cast %add3A_310 : i32 to index
        %get3A_312 = tpu.vector_load %arg11[%get3A_311] {strides = array<i32>} : memref<4096xf32, #tpu.memory_space<vmem>>, vector<16xf32>,
        %add3A_313 = arith.addf %add3A_293, %get3A_312 : vector<16xf32>
        %add3A_314 = arith.constant 96 : i32
        %add3A_315 = arith.addi %mul3A_284, %add3A_314 : i32
        %get3A_316 = arith.index_cast %add3A_315 : i32 to index
        %get3A_317 = tpu.vector_load %arg11[%get3A_316] {strides = array<i32>} : memref<4096xf32, #tpu.memory_space<vmem>>, vector<16xf32>,
        %add3A_318 = arith.addf %add3A_298, %get3A_317 : vector<16xf32>
        %add3A_319 = arith.constant 112 : i32
        %add3A_320 = arith.addi %mul3A_284, %add3A_319 : i32
        %get3A_321 = arith.index_cast %add3A_320 : i32 to index
        %get3A_322 = tpu.vector_load %arg11[%get3A_321] {strides = array<i32>} : memref<4096xf32, #tpu.memory_space<vmem>>, vector<16xf32>,
        %add3A_323 = arith.addf %add3A_303, %get3A_322 : vector<16xf32>
        scf.yield %add3A_308, %add3A_313, %add3A_318, %add3A_323 : vector<16xf32>, vector<16xf32>, vector<16xf32>, vector<16xf32>
      }
      %scan3A_272 = arith.constant 32 : i32
      %add3A_273 = arith.addf %scan3A_271#0, %scan3A_271#1 : vector<16xf32>
      %add3A_274 = arith.addf %scan3A_271#2, %scan3A_271#3 : vector<16xf32>
      %add3A_275 = arith.addf %add3A_273, %add3A_274 : vector<16xf32>
      %swap3A_276 = arith.constant 48 : index
      %swap3A_277 = tpu.vector_load %arg12[%swap3A_276] {strides = array<i32>} : memref<224xf32, #tpu.memory_space<vmem>>, vector<16xf32>,
      tpu.vector_store %arg12[%swap3A_276], %add3A_275 {strides = array<i32>} : memref<224xf32, #tpu.memory_space<vmem>>, vector<16xf32>,
    } else {
    }
    %mul3A_97 = arith.constant 7 : i32
    %mul3A_98 = arith.muli %add3A, %mul3A_97 : i32
    %add3A_99 = arith.constant 3 : i32
    %add3A_100 = arith.addi %mul3A_98, %add3A_99 : i32
    %lt3A_101 = arith.constant 200 : i32
    %lt3A_102 = arith.cmpi slt, %add3A_100, %lt3A_101 : i32
    %convert_element_type3A_103 = arith.extui %lt3A_102 : i1 to i32
    %cond3A_104 = arith.constant 0 : i32
    %cond3A_105 = arith.cmpi ne, %convert_element_type3A_103, %cond3A_104 : i32
    scf.if %cond3A_105 {
      %mul3A_252 = arith.constant 7 : i32
      %mul3A_253 = arith.muli %add3A, %mul3A_252 : i32
      %add3A_254 = arith.constant 3 : i32
      %add3A_255 = arith.addi %mul3A_253, %add3A_254 : i32
      %mul3A_256 = arith.constant 4096 : i32
      %mul3A_257 = arith.muli %add3A_255, %mul3A_256 : i32
      %dma_start3A = tpu.memref_slice %arg4[%mul3A_257] : memref<819200xi32, #tpu.memory_space<hbm>> -> memref<4096xi32, #tpu.memory_space<hbm>>
      %dma_start3A_258 = tpu.memref_slice %arg4[%mul3A_257] : memref<819200xi32, #tpu.memory_space<hbm>> -> memref<4096xi32, #tpu.memory_space<hbm>>
      tpu.enqueue_dma source(%dma_start3A_258 : memref<4096xi32, #tpu.memory_space<hbm>>) target(%arg7 : memref<4096xi32, #tpu.memory_space<vmem>>) target_semaphore(%arg14 : memref<!tpu.dma_semaphore, #tpu.memory_space<semaphore_mem>>)
    } else {
    }
    %mul3A_106 = arith.constant 7 : i32
    %mul3A_107 = arith.muli %add3A, %mul3A_106 : i32
    %add3A_108 = arith.constant 3 : i32
    %add3A_109 = arith.addi %mul3A_107, %add3A_108 : i32
    %lt3A_110 = arith.constant 200 : i32
    %lt3A_111 = arith.cmpi slt, %add3A_109, %lt3A_110 : i32
    %convert_element_type3A_112 = arith.extui %lt3A_111 : i1 to i32
    %cond3A_113 = arith.constant 0 : i32
    %cond3A_114 = arith.cmpi ne, %convert_element_type3A_112, %cond3A_113 : i32
    scf.if %cond3A_114 {
      %mul3A_252 = arith.constant 7 : i32
      %mul3A_253 = arith.muli %add3A, %mul3A_252 : i32
      %add3A_254 = arith.constant 3 : i32
      %add3A_255 = arith.addi %mul3A_253, %add3A_254 : i32
      %mul3A_256 = arith.constant 4096 : i32
      %mul3A_257 = arith.muli %add3A_255, %mul3A_256 : i32
      %dma_wait3A = tpu.memref_slice %arg4[%mul3A_257] : memref<819200xi32, #tpu.memory_space<hbm>> -> memref<4096xi32, #tpu.memory_space<hbm>>
      %dma_wait3A_258 = tpu.memref_slice %arg4[%mul3A_257] : memref<819200xi32, #tpu.memory_space<hbm>> -> memref<4096xi32, #tpu.memory_space<hbm>>
      tpu.wait_dma2 semaphore(%arg14 : memref<!tpu.dma_semaphore, #tpu.memory_space<semaphore_mem>>) src(%dma_wait3A_258 : memref<4096xi32, #tpu.memory_space<hbm>>) dst(%arg7 : memref<4096xi32, #tpu.memory_space<vmem>>)
    } else {
    }
    %mul3A_115 = arith.constant 7 : i32
    %mul3A_116 = arith.muli %add3A, %mul3A_115 : i32
    %add3A_117 = arith.constant 3 : i32
    %add3A_118 = arith.addi %mul3A_116, %add3A_117 : i32
    %lt3A_119 = arith.constant 200 : i32
    %lt3A_120 = arith.cmpi slt, %add3A_118, %lt3A_119 : i32
    %convert_element_type3A_121 = arith.extui %lt3A_120 : i1 to i32
    %cond3A_122 = arith.constant 0 : i32
    %cond3A_123 = arith.cmpi ne, %convert_element_type3A_121, %cond3A_122 : i32
    scf.if %cond3A_123 {
      %dma_start3A = arith.constant 0 : i32
      %dma_start3A_252 = tpu.memref_slice %arg2[%dma_start3A] : memref<1000000xf32, #tpu.memory_space<hbm>> -> memref<1000000xf32, #tpu.memory_space<hbm>>
      tpu.enqueue_indirect_dma source(%dma_start3A_252 : memref<1000000xf32, #tpu.memory_space<hbm>>) target(%arg9 : memref<4096xf32, #tpu.memory_space<vmem>>) offsets(%arg7 : memref<4096xi32, #tpu.memory_space<vmem>>) semaphore(%arg16 : memref<!tpu.dma_semaphore, #tpu.memory_space<semaphore_mem>>)
      %dma_start3A_253 = arith.constant 0 : i32
      %dma_start3A_254 = tpu.memref_slice %arg3[%dma_start3A_253] : memref<1000000xf32, #tpu.memory_space<hbm>> -> memref<1000000xf32, #tpu.memory_space<hbm>>
      tpu.enqueue_indirect_dma source(%dma_start3A_254 : memref<1000000xf32, #tpu.memory_space<hbm>>) target(%arg11 : memref<4096xf32, #tpu.memory_space<vmem>>) offsets(%arg7 : memref<4096xi32, #tpu.memory_space<vmem>>) semaphore(%arg18 : memref<!tpu.dma_semaphore, #tpu.memory_space<semaphore_mem>>)
    } else {
    }
    %mul3A_124 = arith.constant 7 : i32
    %mul3A_125 = arith.muli %add3A, %mul3A_124 : i32
    %add3A_126 = arith.constant 2 : i32
    %add3A_127 = arith.addi %mul3A_125, %add3A_126 : i32
    %lt3A_128 = arith.constant 200 : i32
    %lt3A_129 = arith.cmpi slt, %add3A_127, %lt3A_128 : i32
    %convert_element_type3A_130 = arith.extui %lt3A_129 : i1 to i32
    %cond3A_131 = arith.constant 0 : i32
    %cond3A_132 = arith.cmpi ne, %convert_element_type3A_130, %cond3A_131 : i32
    scf.if %cond3A_132 {
      %dma_wait3A = arith.constant 0 : i32
      %dma_wait3A_252 = tpu.memref_slice %arg2[%dma_wait3A] : memref<1000000xf32, #tpu.memory_space<hbm>> -> memref<1000000xf32, #tpu.memory_space<hbm>>
      tpu.wait_indirect_dma semaphore(%arg15 : memref<!tpu.dma_semaphore, #tpu.memory_space<semaphore_mem>>) src(%dma_wait3A_252 : memref<1000000xf32, #tpu.memory_space<hbm>>) dst(%arg8 : memref<4096xf32, #tpu.memory_space<vmem>>)
      %broadcast_in_dim3A = arith.constant 0.000000e+00 : f32
      %broadcast_in_dim3A_253 = vector.broadcast %broadcast_in_dim3A : f32 to vector<16xf32>
      %scan3A = arith.constant 0 : i32
      %scan3A_254 = arith.constant 32 : i32
      %scan3A_255 = arith.addi %scan3A, %scan3A_254 : i32
      %scan3A_256 = arith.constant 1 : i32
      %scan3A_257:4 = scf.for %scan3A_278 = %scan3A to %scan3A_255 step %scan3A_256 iter_args(%scan3A_279 = %broadcast_in_dim3A_253, %scan3A_280 = %broadcast_in_dim3A_253, %scan3A_281 = %broadcast_in_dim3A_253, %scan3A_282 = %broadcast_in_dim3A_253) -> (vector<16xf32>, vector<16xf32>, vector<16xf32>, vector<16xf32>)  : i32 {
        %mul3A_283 = arith.constant 128 : i32
        %mul3A_284 = arith.muli %scan3A_278, %mul3A_283 : i32
        %add3A_285 = arith.constant 0 : i32
        %add3A_286 = arith.addi %mul3A_284, %add3A_285 : i32
        %get3A = arith.index_cast %add3A_286 : i32 to index
        %get3A_287 = tpu.vector_load %arg8[%get3A] {strides = array<i32>} : memref<4096xf32, #tpu.memory_space<vmem>>, vector<16xf32>,
        %add3A_288 = arith.addf %scan3A_279, %get3A_287 : vector<16xf32>
        %add3A_289 = arith.constant 16 : i32
        %add3A_290 = arith.addi %mul3A_284, %add3A_289 : i32
        %get3A_291 = arith.index_cast %add3A_290 : i32 to index
        %get3A_292 = tpu.vector_load %arg8[%get3A_291] {strides = array<i32>} : memref<4096xf32, #tpu.memory_space<vmem>>, vector<16xf32>,
        %add3A_293 = arith.addf %scan3A_280, %get3A_292 : vector<16xf32>
        %add3A_294 = arith.constant 32 : i32
        %add3A_295 = arith.addi %mul3A_284, %add3A_294 : i32
        %get3A_296 = arith.index_cast %add3A_295 : i32 to index
        %get3A_297 = tpu.vector_load %arg8[%get3A_296] {strides = array<i32>} : memref<4096xf32, #tpu.memory_space<vmem>>, vector<16xf32>,
        %add3A_298 = arith.addf %scan3A_281, %get3A_297 : vector<16xf32>
        %add3A_299 = arith.constant 48 : i32
        %add3A_300 = arith.addi %mul3A_284, %add3A_299 : i32
        %get3A_301 = arith.index_cast %add3A_300 : i32 to index
        %get3A_302 = tpu.vector_load %arg8[%get3A_301] {strides = array<i32>} : memref<4096xf32, #tpu.memory_space<vmem>>, vector<16xf32>,
        %add3A_303 = arith.addf %scan3A_282, %get3A_302 : vector<16xf32>
        %add3A_304 = arith.constant 64 : i32
        %add3A_305 = arith.addi %mul3A_284, %add3A_304 : i32
        %get3A_306 = arith.index_cast %add3A_305 : i32 to index
        %get3A_307 = tpu.vector_load %arg8[%get3A_306] {strides = array<i32>} : memref<4096xf32, #tpu.memory_space<vmem>>, vector<16xf32>,
        %add3A_308 = arith.addf %add3A_288, %get3A_307 : vector<16xf32>
        %add3A_309 = arith.constant 80 : i32
        %add3A_310 = arith.addi %mul3A_284, %add3A_309 : i32
        %get3A_311 = arith.index_cast %add3A_310 : i32 to index
        %get3A_312 = tpu.vector_load %arg8[%get3A_311] {strides = array<i32>} : memref<4096xf32, #tpu.memory_space<vmem>>, vector<16xf32>,
        %add3A_313 = arith.addf %add3A_293, %get3A_312 : vector<16xf32>
        %add3A_314 = arith.constant 96 : i32
        %add3A_315 = arith.addi %mul3A_284, %add3A_314 : i32
        %get3A_316 = arith.index_cast %add3A_315 : i32 to index
        %get3A_317 = tpu.vector_load %arg8[%get3A_316] {strides = array<i32>} : memref<4096xf32, #tpu.memory_space<vmem>>, vector<16xf32>,
        %add3A_318 = arith.addf %add3A_298, %get3A_317 : vector<16xf32>
        %add3A_319 = arith.constant 112 : i32
        %add3A_320 = arith.addi %mul3A_284, %add3A_319 : i32
        %get3A_321 = arith.index_cast %add3A_320 : i32 to index
        %get3A_322 = tpu.vector_load %arg8[%get3A_321] {strides = array<i32>} : memref<4096xf32, #tpu.memory_space<vmem>>, vector<16xf32>,
        %add3A_323 = arith.addf %add3A_303, %get3A_322 : vector<16xf32>
        scf.yield %add3A_308, %add3A_313, %add3A_318, %add3A_323 : vector<16xf32>, vector<16xf32>, vector<16xf32>, vector<16xf32>
      }
      %scan3A_258 = arith.constant 32 : i32
      %add3A_259 = arith.addf %scan3A_257#0, %scan3A_257#1 : vector<16xf32>
      %add3A_260 = arith.addf %scan3A_257#2, %scan3A_257#3 : vector<16xf32>
      %add3A_261 = arith.addf %add3A_259, %add3A_260 : vector<16xf32>
      %swap3A = arith.constant 64 : index
      %swap3A_262 = tpu.vector_load %arg12[%swap3A] {strides = array<i32>} : memref<224xf32, #tpu.memory_space<vmem>>, vector<16xf32>,
      tpu.vector_store %arg12[%swap3A], %add3A_261 {strides = array<i32>} : memref<224xf32, #tpu.memory_space<vmem>>, vector<16xf32>,
      %dma_wait3A_263 = arith.constant 0 : i32
      %dma_wait3A_264 = tpu.memref_slice %arg3[%dma_wait3A_263] : memref<1000000xf32, #tpu.memory_space<hbm>> -> memref<1000000xf32, #tpu.memory_space<hbm>>
      tpu.wait_indirect_dma semaphore(%arg17 : memref<!tpu.dma_semaphore, #tpu.memory_space<semaphore_mem>>) src(%dma_wait3A_264 : memref<1000000xf32, #tpu.memory_space<hbm>>) dst(%arg10 : memref<4096xf32, #tpu.memory_space<vmem>>)
      %broadcast_in_dim3A_265 = arith.constant 0.000000e+00 : f32
      %broadcast_in_dim3A_266 = vector.broadcast %broadcast_in_dim3A_265 : f32 to vector<16xf32>
      %scan3A_267 = arith.constant 0 : i32
      %scan3A_268 = arith.constant 32 : i32
      %scan3A_269 = arith.addi %scan3A_267, %scan3A_268 : i32
      %scan3A_270 = arith.constant 1 : i32
      %scan3A_271:4 = scf.for %scan3A_278 = %scan3A_267 to %scan3A_269 step %scan3A_270 iter_args(%scan3A_279 = %broadcast_in_dim3A_266, %scan3A_280 = %broadcast_in_dim3A_266, %scan3A_281 = %broadcast_in_dim3A_266, %scan3A_282 = %broadcast_in_dim3A_266) -> (vector<16xf32>, vector<16xf32>, vector<16xf32>, vector<16xf32>)  : i32 {
        %mul3A_283 = arith.constant 128 : i32
        %mul3A_284 = arith.muli %scan3A_278, %mul3A_283 : i32
        %add3A_285 = arith.constant 0 : i32
        %add3A_286 = arith.addi %mul3A_284, %add3A_285 : i32
        %get3A = arith.index_cast %add3A_286 : i32 to index
        %get3A_287 = tpu.vector_load %arg10[%get3A] {strides = array<i32>} : memref<4096xf32, #tpu.memory_space<vmem>>, vector<16xf32>,
        %add3A_288 = arith.addf %scan3A_279, %get3A_287 : vector<16xf32>
        %add3A_289 = arith.constant 16 : i32
        %add3A_290 = arith.addi %mul3A_284, %add3A_289 : i32
        %get3A_291 = arith.index_cast %add3A_290 : i32 to index
        %get3A_292 = tpu.vector_load %arg10[%get3A_291] {strides = array<i32>} : memref<4096xf32, #tpu.memory_space<vmem>>, vector<16xf32>,
        %add3A_293 = arith.addf %scan3A_280, %get3A_292 : vector<16xf32>
        %add3A_294 = arith.constant 32 : i32
        %add3A_295 = arith.addi %mul3A_284, %add3A_294 : i32
        %get3A_296 = arith.index_cast %add3A_295 : i32 to index
        %get3A_297 = tpu.vector_load %arg10[%get3A_296] {strides = array<i32>} : memref<4096xf32, #tpu.memory_space<vmem>>, vector<16xf32>,
        %add3A_298 = arith.addf %scan3A_281, %get3A_297 : vector<16xf32>
        %add3A_299 = arith.constant 48 : i32
        %add3A_300 = arith.addi %mul3A_284, %add3A_299 : i32
        %get3A_301 = arith.index_cast %add3A_300 : i32 to index
        %get3A_302 = tpu.vector_load %arg10[%get3A_301] {strides = array<i32>} : memref<4096xf32, #tpu.memory_space<vmem>>, vector<16xf32>,
        %add3A_303 = arith.addf %scan3A_282, %get3A_302 : vector<16xf32>
        %add3A_304 = arith.constant 64 : i32
        %add3A_305 = arith.addi %mul3A_284, %add3A_304 : i32
        %get3A_306 = arith.index_cast %add3A_305 : i32 to index
        %get3A_307 = tpu.vector_load %arg10[%get3A_306] {strides = array<i32>} : memref<4096xf32, #tpu.memory_space<vmem>>, vector<16xf32>,
        %add3A_308 = arith.addf %add3A_288, %get3A_307 : vector<16xf32>
        %add3A_309 = arith.constant 80 : i32
        %add3A_310 = arith.addi %mul3A_284, %add3A_309 : i32
        %get3A_311 = arith.index_cast %add3A_310 : i32 to index
        %get3A_312 = tpu.vector_load %arg10[%get3A_311] {strides = array<i32>} : memref<4096xf32, #tpu.memory_space<vmem>>, vector<16xf32>,
        %add3A_313 = arith.addf %add3A_293, %get3A_312 : vector<16xf32>
        %add3A_314 = arith.constant 96 : i32
        %add3A_315 = arith.addi %mul3A_284, %add3A_314 : i32
        %get3A_316 = arith.index_cast %add3A_315 : i32 to index
        %get3A_317 = tpu.vector_load %arg10[%get3A_316] {strides = array<i32>} : memref<4096xf32, #tpu.memory_space<vmem>>, vector<16xf32>,
        %add3A_318 = arith.addf %add3A_298, %get3A_317 : vector<16xf32>
        %add3A_319 = arith.constant 112 : i32
        %add3A_320 = arith.addi %mul3A_284, %add3A_319 : i32
        %get3A_321 = arith.index_cast %add3A_320 : i32 to index
        %get3A_322 = tpu.vector_load %arg10[%get3A_321] {strides = array<i32>} : memref<4096xf32, #tpu.memory_space<vmem>>, vector<16xf32>,
        %add3A_323 = arith.addf %add3A_303, %get3A_322 : vector<16xf32>
        scf.yield %add3A_308, %add3A_313, %add3A_318, %add3A_323 : vector<16xf32>, vector<16xf32>, vector<16xf32>, vector<16xf32>
      }
      %scan3A_272 = arith.constant 32 : i32
      %add3A_273 = arith.addf %scan3A_271#0, %scan3A_271#1 : vector<16xf32>
      %add3A_274 = arith.addf %scan3A_271#2, %scan3A_271#3 : vector<16xf32>
      %add3A_275 = arith.addf %add3A_273, %add3A_274 : vector<16xf32>
      %swap3A_276 = arith.constant 80 : index
      %swap3A_277 = tpu.vector_load %arg12[%swap3A_276] {strides = array<i32>} : memref<224xf32, #tpu.memory_space<vmem>>, vector<16xf32>,
      tpu.vector_store %arg12[%swap3A_276], %add3A_275 {strides = array<i32>} : memref<224xf32, #tpu.memory_space<vmem>>, vector<16xf32>,
    } else {
    }
    %mul3A_133 = arith.constant 7 : i32
    %mul3A_134 = arith.muli %add3A, %mul3A_133 : i32
    %add3A_135 = arith.constant 4 : i32
    %add3A_136 = arith.addi %mul3A_134, %add3A_135 : i32
    %lt3A_137 = arith.constant 200 : i32
    %lt3A_138 = arith.cmpi slt, %add3A_136, %lt3A_137 : i32
    %convert_element_type3A_139 = arith.extui %lt3A_138 : i1 to i32
    %cond3A_140 = arith.constant 0 : i32
    %cond3A_141 = arith.cmpi ne, %convert_element_type3A_139, %cond3A_140 : i32
    scf.if %cond3A_141 {
      %mul3A_252 = arith.constant 7 : i32
      %mul3A_253 = arith.muli %add3A, %mul3A_252 : i32
      %add3A_254 = arith.constant 4 : i32
      %add3A_255 = arith.addi %mul3A_253, %add3A_254 : i32
      %mul3A_256 = arith.constant 4096 : i32
      %mul3A_257 = arith.muli %add3A_255, %mul3A_256 : i32
      %dma_start3A = tpu.memref_slice %arg4[%mul3A_257] : memref<819200xi32, #tpu.memory_space<hbm>> -> memref<4096xi32, #tpu.memory_space<hbm>>
      %dma_start3A_258 = tpu.memref_slice %arg4[%mul3A_257] : memref<819200xi32, #tpu.memory_space<hbm>> -> memref<4096xi32, #tpu.memory_space<hbm>>
      tpu.enqueue_dma source(%dma_start3A_258 : memref<4096xi32, #tpu.memory_space<hbm>>) target(%arg6 : memref<4096xi32, #tpu.memory_space<vmem>>) target_semaphore(%arg13 : memref<!tpu.dma_semaphore, #tpu.memory_space<semaphore_mem>>)
    } else {
    }
    %mul3A_142 = arith.constant 7 : i32
    %mul3A_143 = arith.muli %add3A, %mul3A_142 : i32
    %add3A_144 = arith.constant 4 : i32
    %add3A_145 = arith.addi %mul3A_143, %add3A_144 : i32
    %lt3A_146 = arith.constant 200 : i32
    %lt3A_147 = arith.cmpi slt, %add3A_145, %lt3A_146 : i32
    %convert_element_type3A_148 = arith.extui %lt3A_147 : i1 to i32
    %cond3A_149 = arith.constant 0 : i32
    %cond3A_150 = arith.cmpi ne, %convert_element_type3A_148, %cond3A_149 : i32
    scf.if %cond3A_150 {
      %mul3A_252 = arith.constant 7 : i32
      %mul3A_253 = arith.muli %add3A, %mul3A_252 : i32
      %add3A_254 = arith.constant 4 : i32
      %add3A_255 = arith.addi %mul3A_253, %add3A_254 : i32
      %mul3A_256 = arith.constant 4096 : i32
      %mul3A_257 = arith.muli %add3A_255, %mul3A_256 : i32
      %dma_wait3A = tpu.memref_slice %arg4[%mul3A_257] : memref<819200xi32, #tpu.memory_space<hbm>> -> memref<4096xi32, #tpu.memory_space<hbm>>
      %dma_wait3A_258 = tpu.memref_slice %arg4[%mul3A_257] : memref<819200xi32, #tpu.memory_space<hbm>> -> memref<4096xi32, #tpu.memory_space<hbm>>
      tpu.wait_dma2 semaphore(%arg13 : memref<!tpu.dma_semaphore, #tpu.memory_space<semaphore_mem>>) src(%dma_wait3A_258 : memref<4096xi32, #tpu.memory_space<hbm>>) dst(%arg6 : memref<4096xi32, #tpu.memory_space<vmem>>)
    } else {
    }
    %mul3A_151 = arith.constant 7 : i32
    %mul3A_152 = arith.muli %add3A, %mul3A_151 : i32
    %add3A_153 = arith.constant 4 : i32
    %add3A_154 = arith.addi %mul3A_152, %add3A_153 : i32
    %lt3A_155 = arith.constant 200 : i32
    %lt3A_156 = arith.cmpi slt, %add3A_154, %lt3A_155 : i32
    %convert_element_type3A_157 = arith.extui %lt3A_156 : i1 to i32
    %cond3A_158 = arith.constant 0 : i32
    %cond3A_159 = arith.cmpi ne, %convert_element_type3A_157, %cond3A_158 : i32
    scf.if %cond3A_159 {
      %dma_start3A = arith.constant 0 : i32
      %dma_start3A_252 = tpu.memref_slice %arg2[%dma_start3A] : memref<1000000xf32, #tpu.memory_space<hbm>> -> memref<1000000xf32, #tpu.memory_space<hbm>>
      tpu.enqueue_indirect_dma source(%dma_start3A_252 : memref<1000000xf32, #tpu.memory_space<hbm>>) target(%arg8 : memref<4096xf32, #tpu.memory_space<vmem>>) offsets(%arg6 : memref<4096xi32, #tpu.memory_space<vmem>>) semaphore(%arg15 : memref<!tpu.dma_semaphore, #tpu.memory_space<semaphore_mem>>)
      %dma_start3A_253 = arith.constant 0 : i32
      %dma_start3A_254 = tpu.memref_slice %arg3[%dma_start3A_253] : memref<1000000xf32, #tpu.memory_space<hbm>> -> memref<1000000xf32, #tpu.memory_space<hbm>>
      tpu.enqueue_indirect_dma source(%dma_start3A_254 : memref<1000000xf32, #tpu.memory_space<hbm>>) target(%arg10 : memref<4096xf32, #tpu.memory_space<vmem>>) offsets(%arg6 : memref<4096xi32, #tpu.memory_space<vmem>>) semaphore(%arg17 : memref<!tpu.dma_semaphore, #tpu.memory_space<semaphore_mem>>)
    } else {
    }
    %mul3A_160 = arith.constant 7 : i32
    %mul3A_161 = arith.muli %add3A, %mul3A_160 : i32
    %add3A_162 = arith.constant 3 : i32
    %add3A_163 = arith.addi %mul3A_161, %add3A_162 : i32
    %lt3A_164 = arith.constant 200 : i32
    %lt3A_165 = arith.cmpi slt, %add3A_163, %lt3A_164 : i32
    %convert_element_type3A_166 = arith.extui %lt3A_165 : i1 to i32
    %cond3A_167 = arith.constant 0 : i32
    %cond3A_168 = arith.cmpi ne, %convert_element_type3A_166, %cond3A_167 : i32
    scf.if %cond3A_168 {
      %dma_wait3A = arith.constant 0 : i32
      %dma_wait3A_252 = tpu.memref_slice %arg2[%dma_wait3A] : memref<1000000xf32, #tpu.memory_space<hbm>> -> memref<1000000xf32, #tpu.memory_space<hbm>>
      tpu.wait_indirect_dma semaphore(%arg16 : memref<!tpu.dma_semaphore, #tpu.memory_space<semaphore_mem>>) src(%dma_wait3A_252 : memref<1000000xf32, #tpu.memory_space<hbm>>) dst(%arg9 : memref<4096xf32, #tpu.memory_space<vmem>>)
      %broadcast_in_dim3A = arith.constant 0.000000e+00 : f32
      %broadcast_in_dim3A_253 = vector.broadcast %broadcast_in_dim3A : f32 to vector<16xf32>
      %scan3A = arith.constant 0 : i32
      %scan3A_254 = arith.constant 32 : i32
      %scan3A_255 = arith.addi %scan3A, %scan3A_254 : i32
      %scan3A_256 = arith.constant 1 : i32
      %scan3A_257:4 = scf.for %scan3A_278 = %scan3A to %scan3A_255 step %scan3A_256 iter_args(%scan3A_279 = %broadcast_in_dim3A_253, %scan3A_280 = %broadcast_in_dim3A_253, %scan3A_281 = %broadcast_in_dim3A_253, %scan3A_282 = %broadcast_in_dim3A_253) -> (vector<16xf32>, vector<16xf32>, vector<16xf32>, vector<16xf32>)  : i32 {
        %mul3A_283 = arith.constant 128 : i32
        %mul3A_284 = arith.muli %scan3A_278, %mul3A_283 : i32
        %add3A_285 = arith.constant 0 : i32
        %add3A_286 = arith.addi %mul3A_284, %add3A_285 : i32
        %get3A = arith.index_cast %add3A_286 : i32 to index
        %get3A_287 = tpu.vector_load %arg9[%get3A] {strides = array<i32>} : memref<4096xf32, #tpu.memory_space<vmem>>, vector<16xf32>,
        %add3A_288 = arith.addf %scan3A_279, %get3A_287 : vector<16xf32>
        %add3A_289 = arith.constant 16 : i32
        %add3A_290 = arith.addi %mul3A_284, %add3A_289 : i32
        %get3A_291 = arith.index_cast %add3A_290 : i32 to index
        %get3A_292 = tpu.vector_load %arg9[%get3A_291] {strides = array<i32>} : memref<4096xf32, #tpu.memory_space<vmem>>, vector<16xf32>,
        %add3A_293 = arith.addf %scan3A_280, %get3A_292 : vector<16xf32>
        %add3A_294 = arith.constant 32 : i32
        %add3A_295 = arith.addi %mul3A_284, %add3A_294 : i32
        %get3A_296 = arith.index_cast %add3A_295 : i32 to index
        %get3A_297 = tpu.vector_load %arg9[%get3A_296] {strides = array<i32>} : memref<4096xf32, #tpu.memory_space<vmem>>, vector<16xf32>,
        %add3A_298 = arith.addf %scan3A_281, %get3A_297 : vector<16xf32>
        %add3A_299 = arith.constant 48 : i32
        %add3A_300 = arith.addi %mul3A_284, %add3A_299 : i32
        %get3A_301 = arith.index_cast %add3A_300 : i32 to index
        %get3A_302 = tpu.vector_load %arg9[%get3A_301] {strides = array<i32>} : memref<4096xf32, #tpu.memory_space<vmem>>, vector<16xf32>,
        %add3A_303 = arith.addf %scan3A_282, %get3A_302 : vector<16xf32>
        %add3A_304 = arith.constant 64 : i32
        %add3A_305 = arith.addi %mul3A_284, %add3A_304 : i32
        %get3A_306 = arith.index_cast %add3A_305 : i32 to index
        %get3A_307 = tpu.vector_load %arg9[%get3A_306] {strides = array<i32>} : memref<4096xf32, #tpu.memory_space<vmem>>, vector<16xf32>,
        %add3A_308 = arith.addf %add3A_288, %get3A_307 : vector<16xf32>
        %add3A_309 = arith.constant 80 : i32
        %add3A_310 = arith.addi %mul3A_284, %add3A_309 : i32
        %get3A_311 = arith.index_cast %add3A_310 : i32 to index
        %get3A_312 = tpu.vector_load %arg9[%get3A_311] {strides = array<i32>} : memref<4096xf32, #tpu.memory_space<vmem>>, vector<16xf32>,
        %add3A_313 = arith.addf %add3A_293, %get3A_312 : vector<16xf32>
        %add3A_314 = arith.constant 96 : i32
        %add3A_315 = arith.addi %mul3A_284, %add3A_314 : i32
        %get3A_316 = arith.index_cast %add3A_315 : i32 to index
        %get3A_317 = tpu.vector_load %arg9[%get3A_316] {strides = array<i32>} : memref<4096xf32, #tpu.memory_space<vmem>>, vector<16xf32>,
        %add3A_318 = arith.addf %add3A_298, %get3A_317 : vector<16xf32>
        %add3A_319 = arith.constant 112 : i32
        %add3A_320 = arith.addi %mul3A_284, %add3A_319 : i32
        %get3A_321 = arith.index_cast %add3A_320 : i32 to index
        %get3A_322 = tpu.vector_load %arg9[%get3A_321] {strides = array<i32>} : memref<4096xf32, #tpu.memory_space<vmem>>, vector<16xf32>,
        %add3A_323 = arith.addf %add3A_303, %get3A_322 : vector<16xf32>
        scf.yield %add3A_308, %add3A_313, %add3A_318, %add3A_323 : vector<16xf32>, vector<16xf32>, vector<16xf32>, vector<16xf32>
      }
      %scan3A_258 = arith.constant 32 : i32
      %add3A_259 = arith.addf %scan3A_257#0, %scan3A_257#1 : vector<16xf32>
      %add3A_260 = arith.addf %scan3A_257#2, %scan3A_257#3 : vector<16xf32>
      %add3A_261 = arith.addf %add3A_259, %add3A_260 : vector<16xf32>
      %swap3A = arith.constant 96 : index
      %swap3A_262 = tpu.vector_load %arg12[%swap3A] {strides = array<i32>} : memref<224xf32, #tpu.memory_space<vmem>>, vector<16xf32>,
      tpu.vector_store %arg12[%swap3A], %add3A_261 {strides = array<i32>} : memref<224xf32, #tpu.memory_space<vmem>>, vector<16xf32>,
      %dma_wait3A_263 = arith.constant 0 : i32
      %dma_wait3A_264 = tpu.memref_slice %arg3[%dma_wait3A_263] : memref<1000000xf32, #tpu.memory_space<hbm>> -> memref<1000000xf32, #tpu.memory_space<hbm>>
      tpu.wait_indirect_dma semaphore(%arg18 : memref<!tpu.dma_semaphore, #tpu.memory_space<semaphore_mem>>) src(%dma_wait3A_264 : memref<1000000xf32, #tpu.memory_space<hbm>>) dst(%arg11 : memref<4096xf32, #tpu.memory_space<vmem>>)
      %broadcast_in_dim3A_265 = arith.constant 0.000000e+00 : f32
      %broadcast_in_dim3A_266 = vector.broadcast %broadcast_in_dim3A_265 : f32 to vector<16xf32>
      %scan3A_267 = arith.constant 0 : i32
      %scan3A_268 = arith.constant 32 : i32
      %scan3A_269 = arith.addi %scan3A_267, %scan3A_268 : i32
      %scan3A_270 = arith.constant 1 : i32
      %scan3A_271:4 = scf.for %scan3A_278 = %scan3A_267 to %scan3A_269 step %scan3A_270 iter_args(%scan3A_279 = %broadcast_in_dim3A_266, %scan3A_280 = %broadcast_in_dim3A_266, %scan3A_281 = %broadcast_in_dim3A_266, %scan3A_282 = %broadcast_in_dim3A_266) -> (vector<16xf32>, vector<16xf32>, vector<16xf32>, vector<16xf32>)  : i32 {
        %mul3A_283 = arith.constant 128 : i32
        %mul3A_284 = arith.muli %scan3A_278, %mul3A_283 : i32
        %add3A_285 = arith.constant 0 : i32
        %add3A_286 = arith.addi %mul3A_284, %add3A_285 : i32
        %get3A = arith.index_cast %add3A_286 : i32 to index
        %get3A_287 = tpu.vector_load %arg11[%get3A] {strides = array<i32>} : memref<4096xf32, #tpu.memory_space<vmem>>, vector<16xf32>,
        %add3A_288 = arith.addf %scan3A_279, %get3A_287 : vector<16xf32>
        %add3A_289 = arith.constant 16 : i32
        %add3A_290 = arith.addi %mul3A_284, %add3A_289 : i32
        %get3A_291 = arith.index_cast %add3A_290 : i32 to index
        %get3A_292 = tpu.vector_load %arg11[%get3A_291] {strides = array<i32>} : memref<4096xf32, #tpu.memory_space<vmem>>, vector<16xf32>,
        %add3A_293 = arith.addf %scan3A_280, %get3A_292 : vector<16xf32>
        %add3A_294 = arith.constant 32 : i32
        %add3A_295 = arith.addi %mul3A_284, %add3A_294 : i32
        %get3A_296 = arith.index_cast %add3A_295 : i32 to index
        %get3A_297 = tpu.vector_load %arg11[%get3A_296] {strides = array<i32>} : memref<4096xf32, #tpu.memory_space<vmem>>, vector<16xf32>,
        %add3A_298 = arith.addf %scan3A_281, %get3A_297 : vector<16xf32>
        %add3A_299 = arith.constant 48 : i32
        %add3A_300 = arith.addi %mul3A_284, %add3A_299 : i32
        %get3A_301 = arith.index_cast %add3A_300 : i32 to index
        %get3A_302 = tpu.vector_load %arg11[%get3A_301] {strides = array<i32>} : memref<4096xf32, #tpu.memory_space<vmem>>, vector<16xf32>,
        %add3A_303 = arith.addf %scan3A_282, %get3A_302 : vector<16xf32>
        %add3A_304 = arith.constant 64 : i32
        %add3A_305 = arith.addi %mul3A_284, %add3A_304 : i32
        %get3A_306 = arith.index_cast %add3A_305 : i32 to index
        %get3A_307 = tpu.vector_load %arg11[%get3A_306] {strides = array<i32>} : memref<4096xf32, #tpu.memory_space<vmem>>, vector<16xf32>,
        %add3A_308 = arith.addf %add3A_288, %get3A_307 : vector<16xf32>
        %add3A_309 = arith.constant 80 : i32
        %add3A_310 = arith.addi %mul3A_284, %add3A_309 : i32
        %get3A_311 = arith.index_cast %add3A_310 : i32 to index
        %get3A_312 = tpu.vector_load %arg11[%get3A_311] {strides = array<i32>} : memref<4096xf32, #tpu.memory_space<vmem>>, vector<16xf32>,
        %add3A_313 = arith.addf %add3A_293, %get3A_312 : vector<16xf32>
        %add3A_314 = arith.constant 96 : i32
        %add3A_315 = arith.addi %mul3A_284, %add3A_314 : i32
        %get3A_316 = arith.index_cast %add3A_315 : i32 to index
        %get3A_317 = tpu.vector_load %arg11[%get3A_316] {strides = array<i32>} : memref<4096xf32, #tpu.memory_space<vmem>>, vector<16xf32>,
        %add3A_318 = arith.addf %add3A_298, %get3A_317 : vector<16xf32>
        %add3A_319 = arith.constant 112 : i32
        %add3A_320 = arith.addi %mul3A_284, %add3A_319 : i32
        %get3A_321 = arith.index_cast %add3A_320 : i32 to index
        %get3A_322 = tpu.vector_load %arg11[%get3A_321] {strides = array<i32>} : memref<4096xf32, #tpu.memory_space<vmem>>, vector<16xf32>,
        %add3A_323 = arith.addf %add3A_303, %get3A_322 : vector<16xf32>
        scf.yield %add3A_308, %add3A_313, %add3A_318, %add3A_323 : vector<16xf32>, vector<16xf32>, vector<16xf32>, vector<16xf32>
      }
      %scan3A_272 = arith.constant 32 : i32
      %add3A_273 = arith.addf %scan3A_271#0, %scan3A_271#1 : vector<16xf32>
      %add3A_274 = arith.addf %scan3A_271#2, %scan3A_271#3 : vector<16xf32>
      %add3A_275 = arith.addf %add3A_273, %add3A_274 : vector<16xf32>
      %swap3A_276 = arith.constant 112 : index
      %swap3A_277 = tpu.vector_load %arg12[%swap3A_276] {strides = array<i32>} : memref<224xf32, #tpu.memory_space<vmem>>, vector<16xf32>,
      tpu.vector_store %arg12[%swap3A_276], %add3A_275 {strides = array<i32>} : memref<224xf32, #tpu.memory_space<vmem>>, vector<16xf32>,
    } else {
    }
    %mul3A_169 = arith.constant 7 : i32
    %mul3A_170 = arith.muli %add3A, %mul3A_169 : i32
    %add3A_171 = arith.constant 5 : i32
    %add3A_172 = arith.addi %mul3A_170, %add3A_171 : i32
    %lt3A_173 = arith.constant 200 : i32
    %lt3A_174 = arith.cmpi slt, %add3A_172, %lt3A_173 : i32
    %convert_element_type3A_175 = arith.extui %lt3A_174 : i1 to i32
    %cond3A_176 = arith.constant 0 : i32
    %cond3A_177 = arith.cmpi ne, %convert_element_type3A_175, %cond3A_176 : i32
    scf.if %cond3A_177 {
      %mul3A_252 = arith.constant 7 : i32
      %mul3A_253 = arith.muli %add3A, %mul3A_252 : i32
      %add3A_254 = arith.constant 5 : i32
      %add3A_255 = arith.addi %mul3A_253, %add3A_254 : i32
      %mul3A_256 = arith.constant 4096 : i32
      %mul3A_257 = arith.muli %add3A_255, %mul3A_256 : i32
      %dma_start3A = tpu.memref_slice %arg4[%mul3A_257] : memref<819200xi32, #tpu.memory_space<hbm>> -> memref<4096xi32, #tpu.memory_space<hbm>>
      %dma_start3A_258 = tpu.memref_slice %arg4[%mul3A_257] : memref<819200xi32, #tpu.memory_space<hbm>> -> memref<4096xi32, #tpu.memory_space<hbm>>
      tpu.enqueue_dma source(%dma_start3A_258 : memref<4096xi32, #tpu.memory_space<hbm>>) target(%arg7 : memref<4096xi32, #tpu.memory_space<vmem>>) target_semaphore(%arg14 : memref<!tpu.dma_semaphore, #tpu.memory_space<semaphore_mem>>)
    } else {
    }
    %mul3A_178 = arith.constant 7 : i32
    %mul3A_179 = arith.muli %add3A, %mul3A_178 : i32
    %add3A_180 = arith.constant 5 : i32
    %add3A_181 = arith.addi %mul3A_179, %add3A_180 : i32
    %lt3A_182 = arith.constant 200 : i32
    %lt3A_183 = arith.cmpi slt, %add3A_181, %lt3A_182 : i32
    %convert_element_type3A_184 = arith.extui %lt3A_183 : i1 to i32
    %cond3A_185 = arith.constant 0 : i32
    %cond3A_186 = arith.cmpi ne, %convert_element_type3A_184, %cond3A_185 : i32
    scf.if %cond3A_186 {
      %mul3A_252 = arith.constant 7 : i32
      %mul3A_253 = arith.muli %add3A, %mul3A_252 : i32
      %add3A_254 = arith.constant 5 : i32
      %add3A_255 = arith.addi %mul3A_253, %add3A_254 : i32
      %mul3A_256 = arith.constant 4096 : i32
      %mul3A_257 = arith.muli %add3A_255, %mul3A_256 : i32
      %dma_wait3A = tpu.memref_slice %arg4[%mul3A_257] : memref<819200xi32, #tpu.memory_space<hbm>> -> memref<4096xi32, #tpu.memory_space<hbm>>
      %dma_wait3A_258 = tpu.memref_slice %arg4[%mul3A_257] : memref<819200xi32, #tpu.memory_space<hbm>> -> memref<4096xi32, #tpu.memory_space<hbm>>
      tpu.wait_dma2 semaphore(%arg14 : memref<!tpu.dma_semaphore, #tpu.memory_space<semaphore_mem>>) src(%dma_wait3A_258 : memref<4096xi32, #tpu.memory_space<hbm>>) dst(%arg7 : memref<4096xi32, #tpu.memory_space<vmem>>)
    } else {
    }
    %mul3A_187 = arith.constant 7 : i32
    %mul3A_188 = arith.muli %add3A, %mul3A_187 : i32
    %add3A_189 = arith.constant 5 : i32
    %add3A_190 = arith.addi %mul3A_188, %add3A_189 : i32
    %lt3A_191 = arith.constant 200 : i32
    %lt3A_192 = arith.cmpi slt, %add3A_190, %lt3A_191 : i32
    %convert_element_type3A_193 = arith.extui %lt3A_192 : i1 to i32
    %cond3A_194 = arith.constant 0 : i32
    %cond3A_195 = arith.cmpi ne, %convert_element_type3A_193, %cond3A_194 : i32
    scf.if %cond3A_195 {
      %dma_start3A = arith.constant 0 : i32
      %dma_start3A_252 = tpu.memref_slice %arg2[%dma_start3A] : memref<1000000xf32, #tpu.memory_space<hbm>> -> memref<1000000xf32, #tpu.memory_space<hbm>>
      tpu.enqueue_indirect_dma source(%dma_start3A_252 : memref<1000000xf32, #tpu.memory_space<hbm>>) target(%arg9 : memref<4096xf32, #tpu.memory_space<vmem>>) offsets(%arg7 : memref<4096xi32, #tpu.memory_space<vmem>>) semaphore(%arg16 : memref<!tpu.dma_semaphore, #tpu.memory_space<semaphore_mem>>)
      %dma_start3A_253 = arith.constant 0 : i32
      %dma_start3A_254 = tpu.memref_slice %arg3[%dma_start3A_253] : memref<1000000xf32, #tpu.memory_space<hbm>> -> memref<1000000xf32, #tpu.memory_space<hbm>>
      tpu.enqueue_indirect_dma source(%dma_start3A_254 : memref<1000000xf32, #tpu.memory_space<hbm>>) target(%arg11 : memref<4096xf32, #tpu.memory_space<vmem>>) offsets(%arg7 : memref<4096xi32, #tpu.memory_space<vmem>>) semaphore(%arg18 : memref<!tpu.dma_semaphore, #tpu.memory_space<semaphore_mem>>)
    } else {
    }
    %mul3A_196 = arith.constant 7 : i32
    %mul3A_197 = arith.muli %add3A, %mul3A_196 : i32
    %add3A_198 = arith.constant 4 : i32
    %add3A_199 = arith.addi %mul3A_197, %add3A_198 : i32
    %lt3A_200 = arith.constant 200 : i32
    %lt3A_201 = arith.cmpi slt, %add3A_199, %lt3A_200 : i32
    %convert_element_type3A_202 = arith.extui %lt3A_201 : i1 to i32
    %cond3A_203 = arith.constant 0 : i32
    %cond3A_204 = arith.cmpi ne, %convert_element_type3A_202, %cond3A_203 : i32
    scf.if %cond3A_204 {
      %dma_wait3A = arith.constant 0 : i32
      %dma_wait3A_252 = tpu.memref_slice %arg2[%dma_wait3A] : memref<1000000xf32, #tpu.memory_space<hbm>> -> memref<1000000xf32, #tpu.memory_space<hbm>>
      tpu.wait_indirect_dma semaphore(%arg15 : memref<!tpu.dma_semaphore, #tpu.memory_space<semaphore_mem>>) src(%dma_wait3A_252 : memref<1000000xf32, #tpu.memory_space<hbm>>) dst(%arg8 : memref<4096xf32, #tpu.memory_space<vmem>>)
      %broadcast_in_dim3A = arith.constant 0.000000e+00 : f32
      %broadcast_in_dim3A_253 = vector.broadcast %broadcast_in_dim3A : f32 to vector<16xf32>
      %scan3A = arith.constant 0 : i32
      %scan3A_254 = arith.constant 32 : i32
      %scan3A_255 = arith.addi %scan3A, %scan3A_254 : i32
      %scan3A_256 = arith.constant 1 : i32
      %scan3A_257:4 = scf.for %scan3A_278 = %scan3A to %scan3A_255 step %scan3A_256 iter_args(%scan3A_279 = %broadcast_in_dim3A_253, %scan3A_280 = %broadcast_in_dim3A_253, %scan3A_281 = %broadcast_in_dim3A_253, %scan3A_282 = %broadcast_in_dim3A_253) -> (vector<16xf32>, vector<16xf32>, vector<16xf32>, vector<16xf32>)  : i32 {
        %mul3A_283 = arith.constant 128 : i32
        %mul3A_284 = arith.muli %scan3A_278, %mul3A_283 : i32
        %add3A_285 = arith.constant 0 : i32
        %add3A_286 = arith.addi %mul3A_284, %add3A_285 : i32
        %get3A = arith.index_cast %add3A_286 : i32 to index
        %get3A_287 = tpu.vector_load %arg8[%get3A] {strides = array<i32>} : memref<4096xf32, #tpu.memory_space<vmem>>, vector<16xf32>,
        %add3A_288 = arith.addf %scan3A_279, %get3A_287 : vector<16xf32>
        %add3A_289 = arith.constant 16 : i32
        %add3A_290 = arith.addi %mul3A_284, %add3A_289 : i32
        %get3A_291 = arith.index_cast %add3A_290 : i32 to index
        %get3A_292 = tpu.vector_load %arg8[%get3A_291] {strides = array<i32>} : memref<4096xf32, #tpu.memory_space<vmem>>, vector<16xf32>,
        %add3A_293 = arith.addf %scan3A_280, %get3A_292 : vector<16xf32>
        %add3A_294 = arith.constant 32 : i32
        %add3A_295 = arith.addi %mul3A_284, %add3A_294 : i32
        %get3A_296 = arith.index_cast %add3A_295 : i32 to index
        %get3A_297 = tpu.vector_load %arg8[%get3A_296] {strides = array<i32>} : memref<4096xf32, #tpu.memory_space<vmem>>, vector<16xf32>,
        %add3A_298 = arith.addf %scan3A_281, %get3A_297 : vector<16xf32>
        %add3A_299 = arith.constant 48 : i32
        %add3A_300 = arith.addi %mul3A_284, %add3A_299 : i32
        %get3A_301 = arith.index_cast %add3A_300 : i32 to index
        %get3A_302 = tpu.vector_load %arg8[%get3A_301] {strides = array<i32>} : memref<4096xf32, #tpu.memory_space<vmem>>, vector<16xf32>,
        %add3A_303 = arith.addf %scan3A_282, %get3A_302 : vector<16xf32>
        %add3A_304 = arith.constant 64 : i32
        %add3A_305 = arith.addi %mul3A_284, %add3A_304 : i32
        %get3A_306 = arith.index_cast %add3A_305 : i32 to index
        %get3A_307 = tpu.vector_load %arg8[%get3A_306] {strides = array<i32>} : memref<4096xf32, #tpu.memory_space<vmem>>, vector<16xf32>,
        %add3A_308 = arith.addf %add3A_288, %get3A_307 : vector<16xf32>
        %add3A_309 = arith.constant 80 : i32
        %add3A_310 = arith.addi %mul3A_284, %add3A_309 : i32
        %get3A_311 = arith.index_cast %add3A_310 : i32 to index
        %get3A_312 = tpu.vector_load %arg8[%get3A_311] {strides = array<i32>} : memref<4096xf32, #tpu.memory_space<vmem>>, vector<16xf32>,
        %add3A_313 = arith.addf %add3A_293, %get3A_312 : vector<16xf32>
        %add3A_314 = arith.constant 96 : i32
        %add3A_315 = arith.addi %mul3A_284, %add3A_314 : i32
        %get3A_316 = arith.index_cast %add3A_315 : i32 to index
        %get3A_317 = tpu.vector_load %arg8[%get3A_316] {strides = array<i32>} : memref<4096xf32, #tpu.memory_space<vmem>>, vector<16xf32>,
        %add3A_318 = arith.addf %add3A_298, %get3A_317 : vector<16xf32>
        %add3A_319 = arith.constant 112 : i32
        %add3A_320 = arith.addi %mul3A_284, %add3A_319 : i32
        %get3A_321 = arith.index_cast %add3A_320 : i32 to index
        %get3A_322 = tpu.vector_load %arg8[%get3A_321] {strides = array<i32>} : memref<4096xf32, #tpu.memory_space<vmem>>, vector<16xf32>,
        %add3A_323 = arith.addf %add3A_303, %get3A_322 : vector<16xf32>
        scf.yield %add3A_308, %add3A_313, %add3A_318, %add3A_323 : vector<16xf32>, vector<16xf32>, vector<16xf32>, vector<16xf32>
      }
      %scan3A_258 = arith.constant 32 : i32
      %add3A_259 = arith.addf %scan3A_257#0, %scan3A_257#1 : vector<16xf32>
      %add3A_260 = arith.addf %scan3A_257#2, %scan3A_257#3 : vector<16xf32>
      %add3A_261 = arith.addf %add3A_259, %add3A_260 : vector<16xf32>
      %swap3A = arith.constant 128 : index
      %swap3A_262 = tpu.vector_load %arg12[%swap3A] {strides = array<i32>} : memref<224xf32, #tpu.memory_space<vmem>>, vector<16xf32>,
      tpu.vector_store %arg12[%swap3A], %add3A_261 {strides = array<i32>} : memref<224xf32, #tpu.memory_space<vmem>>, vector<16xf32>,
      %dma_wait3A_263 = arith.constant 0 : i32
      %dma_wait3A_264 = tpu.memref_slice %arg3[%dma_wait3A_263] : memref<1000000xf32, #tpu.memory_space<hbm>> -> memref<1000000xf32, #tpu.memory_space<hbm>>
      tpu.wait_indirect_dma semaphore(%arg17 : memref<!tpu.dma_semaphore, #tpu.memory_space<semaphore_mem>>) src(%dma_wait3A_264 : memref<1000000xf32, #tpu.memory_space<hbm>>) dst(%arg10 : memref<4096xf32, #tpu.memory_space<vmem>>)
      %broadcast_in_dim3A_265 = arith.constant 0.000000e+00 : f32
      %broadcast_in_dim3A_266 = vector.broadcast %broadcast_in_dim3A_265 : f32 to vector<16xf32>
      %scan3A_267 = arith.constant 0 : i32
      %scan3A_268 = arith.constant 32 : i32
      %scan3A_269 = arith.addi %scan3A_267, %scan3A_268 : i32
      %scan3A_270 = arith.constant 1 : i32
      %scan3A_271:4 = scf.for %scan3A_278 = %scan3A_267 to %scan3A_269 step %scan3A_270 iter_args(%scan3A_279 = %broadcast_in_dim3A_266, %scan3A_280 = %broadcast_in_dim3A_266, %scan3A_281 = %broadcast_in_dim3A_266, %scan3A_282 = %broadcast_in_dim3A_266) -> (vector<16xf32>, vector<16xf32>, vector<16xf32>, vector<16xf32>)  : i32 {
        %mul3A_283 = arith.constant 128 : i32
        %mul3A_284 = arith.muli %scan3A_278, %mul3A_283 : i32
        %add3A_285 = arith.constant 0 : i32
        %add3A_286 = arith.addi %mul3A_284, %add3A_285 : i32
        %get3A = arith.index_cast %add3A_286 : i32 to index
        %get3A_287 = tpu.vector_load %arg10[%get3A] {strides = array<i32>} : memref<4096xf32, #tpu.memory_space<vmem>>, vector<16xf32>,
        %add3A_288 = arith.addf %scan3A_279, %get3A_287 : vector<16xf32>
        %add3A_289 = arith.constant 16 : i32
        %add3A_290 = arith.addi %mul3A_284, %add3A_289 : i32
        %get3A_291 = arith.index_cast %add3A_290 : i32 to index
        %get3A_292 = tpu.vector_load %arg10[%get3A_291] {strides = array<i32>} : memref<4096xf32, #tpu.memory_space<vmem>>, vector<16xf32>,
        %add3A_293 = arith.addf %scan3A_280, %get3A_292 : vector<16xf32>
        %add3A_294 = arith.constant 32 : i32
        %add3A_295 = arith.addi %mul3A_284, %add3A_294 : i32
        %get3A_296 = arith.index_cast %add3A_295 : i32 to index
        %get3A_297 = tpu.vector_load %arg10[%get3A_296] {strides = array<i32>} : memref<4096xf32, #tpu.memory_space<vmem>>, vector<16xf32>,
        %add3A_298 = arith.addf %scan3A_281, %get3A_297 : vector<16xf32>
        %add3A_299 = arith.constant 48 : i32
        %add3A_300 = arith.addi %mul3A_284, %add3A_299 : i32
        %get3A_301 = arith.index_cast %add3A_300 : i32 to index
        %get3A_302 = tpu.vector_load %arg10[%get3A_301] {strides = array<i32>} : memref<4096xf32, #tpu.memory_space<vmem>>, vector<16xf32>,
        %add3A_303 = arith.addf %scan3A_282, %get3A_302 : vector<16xf32>
        %add3A_304 = arith.constant 64 : i32
        %add3A_305 = arith.addi %mul3A_284, %add3A_304 : i32
        %get3A_306 = arith.index_cast %add3A_305 : i32 to index
        %get3A_307 = tpu.vector_load %arg10[%get3A_306] {strides = array<i32>} : memref<4096xf32, #tpu.memory_space<vmem>>, vector<16xf32>,
        %add3A_308 = arith.addf %add3A_288, %get3A_307 : vector<16xf32>
        %add3A_309 = arith.constant 80 : i32
        %add3A_310 = arith.addi %mul3A_284, %add3A_309 : i32
        %get3A_311 = arith.index_cast %add3A_310 : i32 to index
        %get3A_312 = tpu.vector_load %arg10[%get3A_311] {strides = array<i32>} : memref<4096xf32, #tpu.memory_space<vmem>>, vector<16xf32>,
        %add3A_313 = arith.addf %add3A_293, %get3A_312 : vector<16xf32>
        %add3A_314 = arith.constant 96 : i32
        %add3A_315 = arith.addi %mul3A_284, %add3A_314 : i32
        %get3A_316 = arith.index_cast %add3A_315 : i32 to index
        %get3A_317 = tpu.vector_load %arg10[%get3A_316] {strides = array<i32>} : memref<4096xf32, #tpu.memory_space<vmem>>, vector<16xf32>,
        %add3A_318 = arith.addf %add3A_298, %get3A_317 : vector<16xf32>
        %add3A_319 = arith.constant 112 : i32
        %add3A_320 = arith.addi %mul3A_284, %add3A_319 : i32
        %get3A_321 = arith.index_cast %add3A_320 : i32 to index
        %get3A_322 = tpu.vector_load %arg10[%get3A_321] {strides = array<i32>} : memref<4096xf32, #tpu.memory_space<vmem>>, vector<16xf32>,
        %add3A_323 = arith.addf %add3A_303, %get3A_322 : vector<16xf32>
        scf.yield %add3A_308, %add3A_313, %add3A_318, %add3A_323 : vector<16xf32>, vector<16xf32>, vector<16xf32>, vector<16xf32>
      }
      %scan3A_272 = arith.constant 32 : i32
      %add3A_273 = arith.addf %scan3A_271#0, %scan3A_271#1 : vector<16xf32>
      %add3A_274 = arith.addf %scan3A_271#2, %scan3A_271#3 : vector<16xf32>
      %add3A_275 = arith.addf %add3A_273, %add3A_274 : vector<16xf32>
      %swap3A_276 = arith.constant 144 : index
      %swap3A_277 = tpu.vector_load %arg12[%swap3A_276] {strides = array<i32>} : memref<224xf32, #tpu.memory_space<vmem>>, vector<16xf32>,
      tpu.vector_store %arg12[%swap3A_276], %add3A_275 {strides = array<i32>} : memref<224xf32, #tpu.memory_space<vmem>>, vector<16xf32>,
    } else {
    }
    %mul3A_205 = arith.constant 7 : i32
    %mul3A_206 = arith.muli %add3A, %mul3A_205 : i32
    %add3A_207 = arith.constant 6 : i32
    %add3A_208 = arith.addi %mul3A_206, %add3A_207 : i32
    %lt3A_209 = arith.constant 200 : i32
    %lt3A_210 = arith.cmpi slt, %add3A_208, %lt3A_209 : i32
    %convert_element_type3A_211 = arith.extui %lt3A_210 : i1 to i32
    %cond3A_212 = arith.constant 0 : i32
    %cond3A_213 = arith.cmpi ne, %convert_element_type3A_211, %cond3A_212 : i32
    scf.if %cond3A_213 {
      %mul3A_252 = arith.constant 7 : i32
      %mul3A_253 = arith.muli %add3A, %mul3A_252 : i32
      %add3A_254 = arith.constant 6 : i32
      %add3A_255 = arith.addi %mul3A_253, %add3A_254 : i32
      %mul3A_256 = arith.constant 4096 : i32
      %mul3A_257 = arith.muli %add3A_255, %mul3A_256 : i32
      %dma_start3A = tpu.memref_slice %arg4[%mul3A_257] : memref<819200xi32, #tpu.memory_space<hbm>> -> memref<4096xi32, #tpu.memory_space<hbm>>
      %dma_start3A_258 = tpu.memref_slice %arg4[%mul3A_257] : memref<819200xi32, #tpu.memory_space<hbm>> -> memref<4096xi32, #tpu.memory_space<hbm>>
      tpu.enqueue_dma source(%dma_start3A_258 : memref<4096xi32, #tpu.memory_space<hbm>>) target(%arg6 : memref<4096xi32, #tpu.memory_space<vmem>>) target_semaphore(%arg13 : memref<!tpu.dma_semaphore, #tpu.memory_space<semaphore_mem>>)
    } else {
    }
    %mul3A_214 = arith.constant 7 : i32
    %mul3A_215 = arith.muli %add3A, %mul3A_214 : i32
    %add3A_216 = arith.constant 6 : i32
    %add3A_217 = arith.addi %mul3A_215, %add3A_216 : i32
    %lt3A_218 = arith.constant 200 : i32
    %lt3A_219 = arith.cmpi slt, %add3A_217, %lt3A_218 : i32
    %convert_element_type3A_220 = arith.extui %lt3A_219 : i1 to i32
    %cond3A_221 = arith.constant 0 : i32
    %cond3A_222 = arith.cmpi ne, %convert_element_type3A_220, %cond3A_221 : i32
    scf.if %cond3A_222 {
      %mul3A_252 = arith.constant 7 : i32
      %mul3A_253 = arith.muli %add3A, %mul3A_252 : i32
      %add3A_254 = arith.constant 6 : i32
      %add3A_255 = arith.addi %mul3A_253, %add3A_254 : i32
      %mul3A_256 = arith.constant 4096 : i32
      %mul3A_257 = arith.muli %add3A_255, %mul3A_256 : i32
      %dma_wait3A = tpu.memref_slice %arg4[%mul3A_257] : memref<819200xi32, #tpu.memory_space<hbm>> -> memref<4096xi32, #tpu.memory_space<hbm>>
      %dma_wait3A_258 = tpu.memref_slice %arg4[%mul3A_257] : memref<819200xi32, #tpu.memory_space<hbm>> -> memref<4096xi32, #tpu.memory_space<hbm>>
      tpu.wait_dma2 semaphore(%arg13 : memref<!tpu.dma_semaphore, #tpu.memory_space<semaphore_mem>>) src(%dma_wait3A_258 : memref<4096xi32, #tpu.memory_space<hbm>>) dst(%arg6 : memref<4096xi32, #tpu.memory_space<vmem>>)
    } else {
    }
    %mul3A_223 = arith.constant 7 : i32
    %mul3A_224 = arith.muli %add3A, %mul3A_223 : i32
    %add3A_225 = arith.constant 6 : i32
    %add3A_226 = arith.addi %mul3A_224, %add3A_225 : i32
    %lt3A_227 = arith.constant 200 : i32
    %lt3A_228 = arith.cmpi slt, %add3A_226, %lt3A_227 : i32
    %convert_element_type3A_229 = arith.extui %lt3A_228 : i1 to i32
    %cond3A_230 = arith.constant 0 : i32
    %cond3A_231 = arith.cmpi ne, %convert_element_type3A_229, %cond3A_230 : i32
    scf.if %cond3A_231 {
      %dma_start3A = arith.constant 0 : i32
      %dma_start3A_252 = tpu.memref_slice %arg2[%dma_start3A] : memref<1000000xf32, #tpu.memory_space<hbm>> -> memref<1000000xf32, #tpu.memory_space<hbm>>
      tpu.enqueue_indirect_dma source(%dma_start3A_252 : memref<1000000xf32, #tpu.memory_space<hbm>>) target(%arg8 : memref<4096xf32, #tpu.memory_space<vmem>>) offsets(%arg6 : memref<4096xi32, #tpu.memory_space<vmem>>) semaphore(%arg15 : memref<!tpu.dma_semaphore, #tpu.memory_space<semaphore_mem>>)
      %dma_start3A_253 = arith.constant 0 : i32
      %dma_start3A_254 = tpu.memref_slice %arg3[%dma_start3A_253] : memref<1000000xf32, #tpu.memory_space<hbm>> -> memref<1000000xf32, #tpu.memory_space<hbm>>
      tpu.enqueue_indirect_dma source(%dma_start3A_254 : memref<1000000xf32, #tpu.memory_space<hbm>>) target(%arg10 : memref<4096xf32, #tpu.memory_space<vmem>>) offsets(%arg6 : memref<4096xi32, #tpu.memory_space<vmem>>) semaphore(%arg17 : memref<!tpu.dma_semaphore, #tpu.memory_space<semaphore_mem>>)
    } else {
    }
    %mul3A_232 = arith.constant 7 : i32
    %mul3A_233 = arith.muli %add3A, %mul3A_232 : i32
    %add3A_234 = arith.constant 5 : i32
    %add3A_235 = arith.addi %mul3A_233, %add3A_234 : i32
    %lt3A_236 = arith.constant 200 : i32
    %lt3A_237 = arith.cmpi slt, %add3A_235, %lt3A_236 : i32
    %convert_element_type3A_238 = arith.extui %lt3A_237 : i1 to i32
    %cond3A_239 = arith.constant 0 : i32
    %cond3A_240 = arith.cmpi ne, %convert_element_type3A_238, %cond3A_239 : i32
    scf.if %cond3A_240 {
      %dma_wait3A = arith.constant 0 : i32
      %dma_wait3A_252 = tpu.memref_slice %arg2[%dma_wait3A] : memref<1000000xf32, #tpu.memory_space<hbm>> -> memref<1000000xf32, #tpu.memory_space<hbm>>
      tpu.wait_indirect_dma semaphore(%arg16 : memref<!tpu.dma_semaphore, #tpu.memory_space<semaphore_mem>>) src(%dma_wait3A_252 : memref<1000000xf32, #tpu.memory_space<hbm>>) dst(%arg9 : memref<4096xf32, #tpu.memory_space<vmem>>)
      %broadcast_in_dim3A = arith.constant 0.000000e+00 : f32
      %broadcast_in_dim3A_253 = vector.broadcast %broadcast_in_dim3A : f32 to vector<16xf32>
      %scan3A = arith.constant 0 : i32
      %scan3A_254 = arith.constant 32 : i32
      %scan3A_255 = arith.addi %scan3A, %scan3A_254 : i32
      %scan3A_256 = arith.constant 1 : i32
      %scan3A_257:4 = scf.for %scan3A_278 = %scan3A to %scan3A_255 step %scan3A_256 iter_args(%scan3A_279 = %broadcast_in_dim3A_253, %scan3A_280 = %broadcast_in_dim3A_253, %scan3A_281 = %broadcast_in_dim3A_253, %scan3A_282 = %broadcast_in_dim3A_253) -> (vector<16xf32>, vector<16xf32>, vector<16xf32>, vector<16xf32>)  : i32 {
        %mul3A_283 = arith.constant 128 : i32
        %mul3A_284 = arith.muli %scan3A_278, %mul3A_283 : i32
        %add3A_285 = arith.constant 0 : i32
        %add3A_286 = arith.addi %mul3A_284, %add3A_285 : i32
        %get3A = arith.index_cast %add3A_286 : i32 to index
        %get3A_287 = tpu.vector_load %arg9[%get3A] {strides = array<i32>} : memref<4096xf32, #tpu.memory_space<vmem>>, vector<16xf32>,
        %add3A_288 = arith.addf %scan3A_279, %get3A_287 : vector<16xf32>
        %add3A_289 = arith.constant 16 : i32
        %add3A_290 = arith.addi %mul3A_284, %add3A_289 : i32
        %get3A_291 = arith.index_cast %add3A_290 : i32 to index
        %get3A_292 = tpu.vector_load %arg9[%get3A_291] {strides = array<i32>} : memref<4096xf32, #tpu.memory_space<vmem>>, vector<16xf32>,
        %add3A_293 = arith.addf %scan3A_280, %get3A_292 : vector<16xf32>
        %add3A_294 = arith.constant 32 : i32
        %add3A_295 = arith.addi %mul3A_284, %add3A_294 : i32
        %get3A_296 = arith.index_cast %add3A_295 : i32 to index
        %get3A_297 = tpu.vector_load %arg9[%get3A_296] {strides = array<i32>} : memref<4096xf32, #tpu.memory_space<vmem>>, vector<16xf32>,
        %add3A_298 = arith.addf %scan3A_281, %get3A_297 : vector<16xf32>
        %add3A_299 = arith.constant 48 : i32
        %add3A_300 = arith.addi %mul3A_284, %add3A_299 : i32
        %get3A_301 = arith.index_cast %add3A_300 : i32 to index
        %get3A_302 = tpu.vector_load %arg9[%get3A_301] {strides = array<i32>} : memref<4096xf32, #tpu.memory_space<vmem>>, vector<16xf32>,
        %add3A_303 = arith.addf %scan3A_282, %get3A_302 : vector<16xf32>
        %add3A_304 = arith.constant 64 : i32
        %add3A_305 = arith.addi %mul3A_284, %add3A_304 : i32
        %get3A_306 = arith.index_cast %add3A_305 : i32 to index
        %get3A_307 = tpu.vector_load %arg9[%get3A_306] {strides = array<i32>} : memref<4096xf32, #tpu.memory_space<vmem>>, vector<16xf32>,
        %add3A_308 = arith.addf %add3A_288, %get3A_307 : vector<16xf32>
        %add3A_309 = arith.constant 80 : i32
        %add3A_310 = arith.addi %mul3A_284, %add3A_309 : i32
        %get3A_311 = arith.index_cast %add3A_310 : i32 to index
        %get3A_312 = tpu.vector_load %arg9[%get3A_311] {strides = array<i32>} : memref<4096xf32, #tpu.memory_space<vmem>>, vector<16xf32>,
        %add3A_313 = arith.addf %add3A_293, %get3A_312 : vector<16xf32>
        %add3A_314 = arith.constant 96 : i32
        %add3A_315 = arith.addi %mul3A_284, %add3A_314 : i32
        %get3A_316 = arith.index_cast %add3A_315 : i32 to index
        %get3A_317 = tpu.vector_load %arg9[%get3A_316] {strides = array<i32>} : memref<4096xf32, #tpu.memory_space<vmem>>, vector<16xf32>,
        %add3A_318 = arith.addf %add3A_298, %get3A_317 : vector<16xf32>
        %add3A_319 = arith.constant 112 : i32
        %add3A_320 = arith.addi %mul3A_284, %add3A_319 : i32
        %get3A_321 = arith.index_cast %add3A_320 : i32 to index
        %get3A_322 = tpu.vector_load %arg9[%get3A_321] {strides = array<i32>} : memref<4096xf32, #tpu.memory_space<vmem>>, vector<16xf32>,
        %add3A_323 = arith.addf %add3A_303, %get3A_322 : vector<16xf32>
        scf.yield %add3A_308, %add3A_313, %add3A_318, %add3A_323 : vector<16xf32>, vector<16xf32>, vector<16xf32>, vector<16xf32>
      }
      %scan3A_258 = arith.constant 32 : i32
      %add3A_259 = arith.addf %scan3A_257#0, %scan3A_257#1 : vector<16xf32>
      %add3A_260 = arith.addf %scan3A_257#2, %scan3A_257#3 : vector<16xf32>
      %add3A_261 = arith.addf %add3A_259, %add3A_260 : vector<16xf32>
      %swap3A = arith.constant 160 : index
      %swap3A_262 = tpu.vector_load %arg12[%swap3A] {strides = array<i32>} : memref<224xf32, #tpu.memory_space<vmem>>, vector<16xf32>,
      tpu.vector_store %arg12[%swap3A], %add3A_261 {strides = array<i32>} : memref<224xf32, #tpu.memory_space<vmem>>, vector<16xf32>,
      %dma_wait3A_263 = arith.constant 0 : i32
      %dma_wait3A_264 = tpu.memref_slice %arg3[%dma_wait3A_263] : memref<1000000xf32, #tpu.memory_space<hbm>> -> memref<1000000xf32, #tpu.memory_space<hbm>>
      tpu.wait_indirect_dma semaphore(%arg18 : memref<!tpu.dma_semaphore, #tpu.memory_space<semaphore_mem>>) src(%dma_wait3A_264 : memref<1000000xf32, #tpu.memory_space<hbm>>) dst(%arg11 : memref<4096xf32, #tpu.memory_space<vmem>>)
      %broadcast_in_dim3A_265 = arith.constant 0.000000e+00 : f32
      %broadcast_in_dim3A_266 = vector.broadcast %broadcast_in_dim3A_265 : f32 to vector<16xf32>
      %scan3A_267 = arith.constant 0 : i32
      %scan3A_268 = arith.constant 32 : i32
      %scan3A_269 = arith.addi %scan3A_267, %scan3A_268 : i32
      %scan3A_270 = arith.constant 1 : i32
      %scan3A_271:4 = scf.for %scan3A_278 = %scan3A_267 to %scan3A_269 step %scan3A_270 iter_args(%scan3A_279 = %broadcast_in_dim3A_266, %scan3A_280 = %broadcast_in_dim3A_266, %scan3A_281 = %broadcast_in_dim3A_266, %scan3A_282 = %broadcast_in_dim3A_266) -> (vector<16xf32>, vector<16xf32>, vector<16xf32>, vector<16xf32>)  : i32 {
        %mul3A_283 = arith.constant 128 : i32
        %mul3A_284 = arith.muli %scan3A_278, %mul3A_283 : i32
        %add3A_285 = arith.constant 0 : i32
        %add3A_286 = arith.addi %mul3A_284, %add3A_285 : i32
        %get3A = arith.index_cast %add3A_286 : i32 to index
        %get3A_287 = tpu.vector_load %arg11[%get3A] {strides = array<i32>} : memref<4096xf32, #tpu.memory_space<vmem>>, vector<16xf32>,
        %add3A_288 = arith.addf %scan3A_279, %get3A_287 : vector<16xf32>
        %add3A_289 = arith.constant 16 : i32
        %add3A_290 = arith.addi %mul3A_284, %add3A_289 : i32
        %get3A_291 = arith.index_cast %add3A_290 : i32 to index
        %get3A_292 = tpu.vector_load %arg11[%get3A_291] {strides = array<i32>} : memref<4096xf32, #tpu.memory_space<vmem>>, vector<16xf32>,
        %add3A_293 = arith.addf %scan3A_280, %get3A_292 : vector<16xf32>
        %add3A_294 = arith.constant 32 : i32
        %add3A_295 = arith.addi %mul3A_284, %add3A_294 : i32
        %get3A_296 = arith.index_cast %add3A_295 : i32 to index
        %get3A_297 = tpu.vector_load %arg11[%get3A_296] {strides = array<i32>} : memref<4096xf32, #tpu.memory_space<vmem>>, vector<16xf32>,
        %add3A_298 = arith.addf %scan3A_281, %get3A_297 : vector<16xf32>
        %add3A_299 = arith.constant 48 : i32
        %add3A_300 = arith.addi %mul3A_284, %add3A_299 : i32
        %get3A_301 = arith.index_cast %add3A_300 : i32 to index
        %get3A_302 = tpu.vector_load %arg11[%get3A_301] {strides = array<i32>} : memref<4096xf32, #tpu.memory_space<vmem>>, vector<16xf32>,
        %add3A_303 = arith.addf %scan3A_282, %get3A_302 : vector<16xf32>
        %add3A_304 = arith.constant 64 : i32
        %add3A_305 = arith.addi %mul3A_284, %add3A_304 : i32
        %get3A_306 = arith.index_cast %add3A_305 : i32 to index
        %get3A_307 = tpu.vector_load %arg11[%get3A_306] {strides = array<i32>} : memref<4096xf32, #tpu.memory_space<vmem>>, vector<16xf32>,
        %add3A_308 = arith.addf %add3A_288, %get3A_307 : vector<16xf32>
        %add3A_309 = arith.constant 80 : i32
        %add3A_310 = arith.addi %mul3A_284, %add3A_309 : i32
        %get3A_311 = arith.index_cast %add3A_310 : i32 to index
        %get3A_312 = tpu.vector_load %arg11[%get3A_311] {strides = array<i32>} : memref<4096xf32, #tpu.memory_space<vmem>>, vector<16xf32>,
        %add3A_313 = arith.addf %add3A_293, %get3A_312 : vector<16xf32>
        %add3A_314 = arith.constant 96 : i32
        %add3A_315 = arith.addi %mul3A_284, %add3A_314 : i32
        %get3A_316 = arith.index_cast %add3A_315 : i32 to index
        %get3A_317 = tpu.vector_load %arg11[%get3A_316] {strides = array<i32>} : memref<4096xf32, #tpu.memory_space<vmem>>, vector<16xf32>,
        %add3A_318 = arith.addf %add3A_298, %get3A_317 : vector<16xf32>
        %add3A_319 = arith.constant 112 : i32
        %add3A_320 = arith.addi %mul3A_284, %add3A_319 : i32
        %get3A_321 = arith.index_cast %add3A_320 : i32 to index
        %get3A_322 = tpu.vector_load %arg11[%get3A_321] {strides = array<i32>} : memref<4096xf32, #tpu.memory_space<vmem>>, vector<16xf32>,
        %add3A_323 = arith.addf %add3A_303, %get3A_322 : vector<16xf32>
        scf.yield %add3A_308, %add3A_313, %add3A_318, %add3A_323 : vector<16xf32>, vector<16xf32>, vector<16xf32>, vector<16xf32>
      }
      %scan3A_272 = arith.constant 32 : i32
      %add3A_273 = arith.addf %scan3A_271#0, %scan3A_271#1 : vector<16xf32>
      %add3A_274 = arith.addf %scan3A_271#2, %scan3A_271#3 : vector<16xf32>
      %add3A_275 = arith.addf %add3A_273, %add3A_274 : vector<16xf32>
      %swap3A_276 = arith.constant 176 : index
      %swap3A_277 = tpu.vector_load %arg12[%swap3A_276] {strides = array<i32>} : memref<224xf32, #tpu.memory_space<vmem>>, vector<16xf32>,
      tpu.vector_store %arg12[%swap3A_276], %add3A_275 {strides = array<i32>} : memref<224xf32, #tpu.memory_space<vmem>>, vector<16xf32>,
    } else {
    }
    %mul3A_241 = arith.constant 7 : i32
    %mul3A_242 = arith.muli %add3A, %mul3A_241 : i32
    %add3A_243 = arith.constant 6 : i32
    %add3A_244 = arith.addi %mul3A_242, %add3A_243 : i32
    %lt3A_245 = arith.constant 200 : i32
    %lt3A_246 = arith.cmpi slt, %add3A_244, %lt3A_245 : i32
    %convert_element_type3A_247 = arith.extui %lt3A_246 : i1 to i32
    %cond3A_248 = arith.constant 0 : i32
    %cond3A_249 = arith.cmpi ne, %convert_element_type3A_247, %cond3A_248 : i32
    scf.if %cond3A_249 {
      %dma_wait3A = arith.constant 0 : i32
      %dma_wait3A_252 = tpu.memref_slice %arg2[%dma_wait3A] : memref<1000000xf32, #tpu.memory_space<hbm>> -> memref<1000000xf32, #tpu.memory_space<hbm>>
      tpu.wait_indirect_dma semaphore(%arg15 : memref<!tpu.dma_semaphore, #tpu.memory_space<semaphore_mem>>) src(%dma_wait3A_252 : memref<1000000xf32, #tpu.memory_space<hbm>>) dst(%arg8 : memref<4096xf32, #tpu.memory_space<vmem>>)
      %broadcast_in_dim3A = arith.constant 0.000000e+00 : f32
      %broadcast_in_dim3A_253 = vector.broadcast %broadcast_in_dim3A : f32 to vector<16xf32>
      %scan3A = arith.constant 0 : i32
      %scan3A_254 = arith.constant 32 : i32
      %scan3A_255 = arith.addi %scan3A, %scan3A_254 : i32
      %scan3A_256 = arith.constant 1 : i32
      %scan3A_257:4 = scf.for %scan3A_278 = %scan3A to %scan3A_255 step %scan3A_256 iter_args(%scan3A_279 = %broadcast_in_dim3A_253, %scan3A_280 = %broadcast_in_dim3A_253, %scan3A_281 = %broadcast_in_dim3A_253, %scan3A_282 = %broadcast_in_dim3A_253) -> (vector<16xf32>, vector<16xf32>, vector<16xf32>, vector<16xf32>)  : i32 {
        %mul3A_283 = arith.constant 128 : i32
        %mul3A_284 = arith.muli %scan3A_278, %mul3A_283 : i32
        %add3A_285 = arith.constant 0 : i32
        %add3A_286 = arith.addi %mul3A_284, %add3A_285 : i32
        %get3A = arith.index_cast %add3A_286 : i32 to index
        %get3A_287 = tpu.vector_load %arg8[%get3A] {strides = array<i32>} : memref<4096xf32, #tpu.memory_space<vmem>>, vector<16xf32>,
        %add3A_288 = arith.addf %scan3A_279, %get3A_287 : vector<16xf32>
        %add3A_289 = arith.constant 16 : i32
        %add3A_290 = arith.addi %mul3A_284, %add3A_289 : i32
        %get3A_291 = arith.index_cast %add3A_290 : i32 to index
        %get3A_292 = tpu.vector_load %arg8[%get3A_291] {strides = array<i32>} : memref<4096xf32, #tpu.memory_space<vmem>>, vector<16xf32>,
        %add3A_293 = arith.addf %scan3A_280, %get3A_292 : vector<16xf32>
        %add3A_294 = arith.constant 32 : i32
        %add3A_295 = arith.addi %mul3A_284, %add3A_294 : i32
        %get3A_296 = arith.index_cast %add3A_295 : i32 to index
        %get3A_297 = tpu.vector_load %arg8[%get3A_296] {strides = array<i32>} : memref<4096xf32, #tpu.memory_space<vmem>>, vector<16xf32>,
        %add3A_298 = arith.addf %scan3A_281, %get3A_297 : vector<16xf32>
        %add3A_299 = arith.constant 48 : i32
        %add3A_300 = arith.addi %mul3A_284, %add3A_299 : i32
        %get3A_301 = arith.index_cast %add3A_300 : i32 to index
        %get3A_302 = tpu.vector_load %arg8[%get3A_301] {strides = array<i32>} : memref<4096xf32, #tpu.memory_space<vmem>>, vector<16xf32>,
        %add3A_303 = arith.addf %scan3A_282, %get3A_302 : vector<16xf32>
        %add3A_304 = arith.constant 64 : i32
        %add3A_305 = arith.addi %mul3A_284, %add3A_304 : i32
        %get3A_306 = arith.index_cast %add3A_305 : i32 to index
        %get3A_307 = tpu.vector_load %arg8[%get3A_306] {strides = array<i32>} : memref<4096xf32, #tpu.memory_space<vmem>>, vector<16xf32>,
        %add3A_308 = arith.addf %add3A_288, %get3A_307 : vector<16xf32>
        %add3A_309 = arith.constant 80 : i32
        %add3A_310 = arith.addi %mul3A_284, %add3A_309 : i32
        %get3A_311 = arith.index_cast %add3A_310 : i32 to index
        %get3A_312 = tpu.vector_load %arg8[%get3A_311] {strides = array<i32>} : memref<4096xf32, #tpu.memory_space<vmem>>, vector<16xf32>,
        %add3A_313 = arith.addf %add3A_293, %get3A_312 : vector<16xf32>
        %add3A_314 = arith.constant 96 : i32
        %add3A_315 = arith.addi %mul3A_284, %add3A_314 : i32
        %get3A_316 = arith.index_cast %add3A_315 : i32 to index
        %get3A_317 = tpu.vector_load %arg8[%get3A_316] {strides = array<i32>} : memref<4096xf32, #tpu.memory_space<vmem>>, vector<16xf32>,
        %add3A_318 = arith.addf %add3A_298, %get3A_317 : vector<16xf32>
        %add3A_319 = arith.constant 112 : i32
        %add3A_320 = arith.addi %mul3A_284, %add3A_319 : i32
        %get3A_321 = arith.index_cast %add3A_320 : i32 to index
        %get3A_322 = tpu.vector_load %arg8[%get3A_321] {strides = array<i32>} : memref<4096xf32, #tpu.memory_space<vmem>>, vector<16xf32>,
        %add3A_323 = arith.addf %add3A_303, %get3A_322 : vector<16xf32>
        scf.yield %add3A_308, %add3A_313, %add3A_318, %add3A_323 : vector<16xf32>, vector<16xf32>, vector<16xf32>, vector<16xf32>
      }
      %scan3A_258 = arith.constant 32 : i32
      %add3A_259 = arith.addf %scan3A_257#0, %scan3A_257#1 : vector<16xf32>
      %add3A_260 = arith.addf %scan3A_257#2, %scan3A_257#3 : vector<16xf32>
      %add3A_261 = arith.addf %add3A_259, %add3A_260 : vector<16xf32>
      %swap3A = arith.constant 192 : index
      %swap3A_262 = tpu.vector_load %arg12[%swap3A] {strides = array<i32>} : memref<224xf32, #tpu.memory_space<vmem>>, vector<16xf32>,
      tpu.vector_store %arg12[%swap3A], %add3A_261 {strides = array<i32>} : memref<224xf32, #tpu.memory_space<vmem>>, vector<16xf32>,
      %dma_wait3A_263 = arith.constant 0 : i32
      %dma_wait3A_264 = tpu.memref_slice %arg3[%dma_wait3A_263] : memref<1000000xf32, #tpu.memory_space<hbm>> -> memref<1000000xf32, #tpu.memory_space<hbm>>
      tpu.wait_indirect_dma semaphore(%arg17 : memref<!tpu.dma_semaphore, #tpu.memory_space<semaphore_mem>>) src(%dma_wait3A_264 : memref<1000000xf32, #tpu.memory_space<hbm>>) dst(%arg10 : memref<4096xf32, #tpu.memory_space<vmem>>)
      %broadcast_in_dim3A_265 = arith.constant 0.000000e+00 : f32
      %broadcast_in_dim3A_266 = vector.broadcast %broadcast_in_dim3A_265 : f32 to vector<16xf32>
      %scan3A_267 = arith.constant 0 : i32
      %scan3A_268 = arith.constant 32 : i32
      %scan3A_269 = arith.addi %scan3A_267, %scan3A_268 : i32
      %scan3A_270 = arith.constant 1 : i32
      %scan3A_271:4 = scf.for %scan3A_278 = %scan3A_267 to %scan3A_269 step %scan3A_270 iter_args(%scan3A_279 = %broadcast_in_dim3A_266, %scan3A_280 = %broadcast_in_dim3A_266, %scan3A_281 = %broadcast_in_dim3A_266, %scan3A_282 = %broadcast_in_dim3A_266) -> (vector<16xf32>, vector<16xf32>, vector<16xf32>, vector<16xf32>)  : i32 {
        %mul3A_283 = arith.constant 128 : i32
        %mul3A_284 = arith.muli %scan3A_278, %mul3A_283 : i32
        %add3A_285 = arith.constant 0 : i32
        %add3A_286 = arith.addi %mul3A_284, %add3A_285 : i32
        %get3A = arith.index_cast %add3A_286 : i32 to index
        %get3A_287 = tpu.vector_load %arg10[%get3A] {strides = array<i32>} : memref<4096xf32, #tpu.memory_space<vmem>>, vector<16xf32>,
        %add3A_288 = arith.addf %scan3A_279, %get3A_287 : vector<16xf32>
        %add3A_289 = arith.constant 16 : i32
        %add3A_290 = arith.addi %mul3A_284, %add3A_289 : i32
        %get3A_291 = arith.index_cast %add3A_290 : i32 to index
        %get3A_292 = tpu.vector_load %arg10[%get3A_291] {strides = array<i32>} : memref<4096xf32, #tpu.memory_space<vmem>>, vector<16xf32>,
        %add3A_293 = arith.addf %scan3A_280, %get3A_292 : vector<16xf32>
        %add3A_294 = arith.constant 32 : i32
        %add3A_295 = arith.addi %mul3A_284, %add3A_294 : i32
        %get3A_296 = arith.index_cast %add3A_295 : i32 to index
        %get3A_297 = tpu.vector_load %arg10[%get3A_296] {strides = array<i32>} : memref<4096xf32, #tpu.memory_space<vmem>>, vector<16xf32>,
        %add3A_298 = arith.addf %scan3A_281, %get3A_297 : vector<16xf32>
        %add3A_299 = arith.constant 48 : i32
        %add3A_300 = arith.addi %mul3A_284, %add3A_299 : i32
        %get3A_301 = arith.index_cast %add3A_300 : i32 to index
        %get3A_302 = tpu.vector_load %arg10[%get3A_301] {strides = array<i32>} : memref<4096xf32, #tpu.memory_space<vmem>>, vector<16xf32>,
        %add3A_303 = arith.addf %scan3A_282, %get3A_302 : vector<16xf32>
        %add3A_304 = arith.constant 64 : i32
        %add3A_305 = arith.addi %mul3A_284, %add3A_304 : i32
        %get3A_306 = arith.index_cast %add3A_305 : i32 to index
        %get3A_307 = tpu.vector_load %arg10[%get3A_306] {strides = array<i32>} : memref<4096xf32, #tpu.memory_space<vmem>>, vector<16xf32>,
        %add3A_308 = arith.addf %add3A_288, %get3A_307 : vector<16xf32>
        %add3A_309 = arith.constant 80 : i32
        %add3A_310 = arith.addi %mul3A_284, %add3A_309 : i32
        %get3A_311 = arith.index_cast %add3A_310 : i32 to index
        %get3A_312 = tpu.vector_load %arg10[%get3A_311] {strides = array<i32>} : memref<4096xf32, #tpu.memory_space<vmem>>, vector<16xf32>,
        %add3A_313 = arith.addf %add3A_293, %get3A_312 : vector<16xf32>
        %add3A_314 = arith.constant 96 : i32
        %add3A_315 = arith.addi %mul3A_284, %add3A_314 : i32
        %get3A_316 = arith.index_cast %add3A_315 : i32 to index
        %get3A_317 = tpu.vector_load %arg10[%get3A_316] {strides = array<i32>} : memref<4096xf32, #tpu.memory_space<vmem>>, vector<16xf32>,
        %add3A_318 = arith.addf %add3A_298, %get3A_317 : vector<16xf32>
        %add3A_319 = arith.constant 112 : i32
        %add3A_320 = arith.addi %mul3A_284, %add3A_319 : i32
        %get3A_321 = arith.index_cast %add3A_320 : i32 to index
        %get3A_322 = tpu.vector_load %arg10[%get3A_321] {strides = array<i32>} : memref<4096xf32, #tpu.memory_space<vmem>>, vector<16xf32>,
        %add3A_323 = arith.addf %add3A_303, %get3A_322 : vector<16xf32>
        scf.yield %add3A_308, %add3A_313, %add3A_318, %add3A_323 : vector<16xf32>, vector<16xf32>, vector<16xf32>, vector<16xf32>
      }
      %scan3A_272 = arith.constant 32 : i32
      %add3A_273 = arith.addf %scan3A_271#0, %scan3A_271#1 : vector<16xf32>
      %add3A_274 = arith.addf %scan3A_271#2, %scan3A_271#3 : vector<16xf32>
      %add3A_275 = arith.addf %add3A_273, %add3A_274 : vector<16xf32>
      %swap3A_276 = arith.constant 208 : index
      %swap3A_277 = tpu.vector_load %arg12[%swap3A_276] {strides = array<i32>} : memref<224xf32, #tpu.memory_space<vmem>>, vector<16xf32>,
      tpu.vector_store %arg12[%swap3A_276], %add3A_275 {strides = array<i32>} : memref<224xf32, #tpu.memory_space<vmem>>, vector<16xf32>,
    } else {
    }
    %mul3A_250 = arith.constant 224 : i32
    %mul3A_251 = arith.muli %add3A, %mul3A_250 : i32
    "tpu.region"() ({
      %run_scoped3A = tpu.sem_alloc : memref<!tpu.dma_semaphore, #tpu.memory_space<semaphore_mem>>
      %dma_start3A = tpu.memref_slice %arg5[%mul3A_251] : memref<7168xf32, #tpu.memory_space<hbm>> -> memref<224xf32, #tpu.memory_space<hbm>>
      %dma_start3A_252 = tpu.memref_slice %arg5[%mul3A_251] : memref<7168xf32, #tpu.memory_space<hbm>> -> memref<224xf32, #tpu.memory_space<hbm>>
      tpu.enqueue_dma source(%arg12 : memref<224xf32, #tpu.memory_space<vmem>>) target(%dma_start3A_252 : memref<224xf32, #tpu.memory_space<hbm>>) target_semaphore(%run_scoped3A : memref<!tpu.dma_semaphore, #tpu.memory_space<semaphore_mem>>)
      %dma_wait3A = tpu.memref_slice %arg5[%mul3A_251] : memref<7168xf32, #tpu.memory_space<hbm>> -> memref<224xf32, #tpu.memory_space<hbm>>
      %dma_wait3A_253 = tpu.memref_slice %arg5[%mul3A_251] : memref<7168xf32, #tpu.memory_space<hbm>> -> memref<224xf32, #tpu.memory_space<hbm>>
      tpu.wait_dma2 semaphore(%run_scoped3A : memref<!tpu.dma_semaphore, #tpu.memory_space<semaphore_mem>>) src(%arg12 : memref<224xf32, #tpu.memory_space<vmem>>) dst(%dma_wait3A_253 : memref<224xf32, #tpu.memory_space<hbm>>)
      tpu.yield
    }) : () -> ()
    return
  }
}

#map = affine_map<(d0, d1) -> (0)>
module attributes {stable_mosaic.version = 14 : i64} {
  func.func @_recurrence(%arg0: i32, %arg1: i32, %arg2: memref<7168xf32, #tpu.memory_space<hbm>>, %arg3: memref<16xf32, #tpu.memory_space<hbm>>, %arg4: memref<224xf32, #tpu.memory_space<hbm>>, %arg5: memref<7168xf32, #tpu.memory_space<vmem>>, %arg6: memref<16xf32, #tpu.memory_space<vmem>>, %arg7: memref<224xf32, #tpu.memory_space<vmem>>) attributes {dimension_semantics = [#tpu.dimension_semantics<core_parallel>, #tpu.dimension_semantics<subcore_parallel>], iteration_bounds = array<i64: 2, 16>, scalar_prefetch = 0 : i64, scratch_operands = 3 : i64, tpu.core_type = #tpu.core_type<sc_vector_subcore>, window_params = [{transform_indices = #map}, {transform_indices = #map}, {transform_indices = #map}]} {
    %mul3A = arith.constant 2 : i32
    %mul3A_0 = arith.muli %arg1, %mul3A : i32
    %add3A = arith.addi %mul3A_0, %arg0 : i32
    %eq3A = arith.constant 0 : i32
    %eq3A_1 = arith.cmpi eq, %add3A, %eq3A : i32
    %convert_element_type3A = arith.extui %eq3A_1 : i1 to i32
    %cond3A = arith.constant 0 : i32
    %cond3A_2 = arith.cmpi ne, %convert_element_type3A, %cond3A : i32
    scf.if %cond3A_2 {
      "tpu.region"() ({
        %run_scoped3A = tpu.sem_alloc : memref<!tpu.dma_semaphore, #tpu.memory_space<semaphore_mem>>
        tpu.enqueue_dma source(%arg2 : memref<7168xf32, #tpu.memory_space<hbm>>) target(%arg5 : memref<7168xf32, #tpu.memory_space<vmem>>) target_semaphore(%run_scoped3A : memref<!tpu.dma_semaphore, #tpu.memory_space<semaphore_mem>>)
        tpu.wait_dma2 semaphore(%run_scoped3A : memref<!tpu.dma_semaphore, #tpu.memory_space<semaphore_mem>>) src(%arg2 : memref<7168xf32, #tpu.memory_space<hbm>>) dst(%arg5 : memref<7168xf32, #tpu.memory_space<vmem>>)
        tpu.yield
      }) : () -> ()
      "tpu.region"() ({
        %run_scoped3A = tpu.sem_alloc : memref<!tpu.dma_semaphore, #tpu.memory_space<semaphore_mem>>
        tpu.enqueue_dma source(%arg3 : memref<16xf32, #tpu.memory_space<hbm>>) target(%arg6 : memref<16xf32, #tpu.memory_space<vmem>>) target_semaphore(%run_scoped3A : memref<!tpu.dma_semaphore, #tpu.memory_space<semaphore_mem>>)
        tpu.wait_dma2 semaphore(%run_scoped3A : memref<!tpu.dma_semaphore, #tpu.memory_space<semaphore_mem>>) src(%arg3 : memref<16xf32, #tpu.memory_space<hbm>>) dst(%arg6 : memref<16xf32, #tpu.memory_space<vmem>>)
        tpu.yield
      }) : () -> ()
      %iota3A = tpu.iota {dimensions = array<i32: 0>} : vector<16xi32>
      %eq3A_3 = arith.constant 0 : i32
      %eq3A_4 = vector.broadcast %eq3A_3 : i32 to vector<16xi32>
      %eq3A_5 = arith.cmpi eq, %iota3A, %eq3A_4 : vector<16xi32>
      %get3A = arith.constant 0 : index
      %get3A_6 = tpu.vector_load %arg6[%get3A] {strides = array<i32>} : memref<16xf32, #tpu.memory_space<vmem>>, vector<16xf32>,
      %slice3A = vector.extract_strided_slice %get3A_6 {offsets = [0], sizes = [1], strides = [1]} : vector<16xf32> to vector<1xf32>
      %squeeze3A = vector.extract %slice3A[0] : f32 from vector<1xf32>
      %scan3A = arith.constant 0 : i32
      %scan3A_7 = arith.constant 200 : i32
      %scan3A_8 = arith.addi %scan3A, %scan3A_7 : i32
      %scan3A_9 = arith.constant 1 : i32
      %scan3A_10 = scf.for %scan3A_12 = %scan3A to %scan3A_8 step %scan3A_9 iter_args(%scan3A_13 = %squeeze3A) -> (f32)  : i32 {
        %mul3A_14 = arith.constant 2 : i32
        %mul3A_15 = arith.muli %scan3A_12, %mul3A_14 : i32
        %mul3A_16 = arith.constant 16 : i32
        %mul3A_17 = arith.muli %mul3A_15, %mul3A_16 : i32
        %get3A_18 = arith.index_cast %mul3A_17 : i32 to index
        %get3A_19 = tpu.vector_load %arg5[%get3A_18] {strides = array<i32>} : memref<7168xf32, #tpu.memory_space<vmem>>, vector<16xf32>,
        %reduce_sum3A = arith.constant true
        %reduce_sum3A_20 = vector.broadcast %reduce_sum3A : i1 to vector<16xi1>
        %reduce_sum3A_21 = tpu.scan <sum>, %get3A_19 masked %reduce_sum3A_20 : vector<16xf32>, vector<16xi1> -> vector<16xf32>
        %reduce_sum3A_22 = vector.extract %reduce_sum3A_21[15] : f32 from vector<16xf32>
        %mul3A_23 = arith.constant 2 : i32
        %mul3A_24 = arith.muli %scan3A_12, %mul3A_23 : i32
        %mul3A_25 = arith.constant 16 : i32
        %mul3A_26 = arith.muli %mul3A_24, %mul3A_25 : i32
        %add3A_27 = arith.constant 16 : i32
        %add3A_28 = arith.addi %mul3A_26, %add3A_27 : i32
        %get3A_29 = arith.index_cast %add3A_28 : i32 to index
        %get3A_30 = tpu.vector_load %arg5[%get3A_29] {strides = array<i32>} : memref<7168xf32, #tpu.memory_space<vmem>>, vector<16xf32>,
        %reduce_sum3A_31 = arith.constant true
        %reduce_sum3A_32 = vector.broadcast %reduce_sum3A_31 : i1 to vector<16xi1>
        %reduce_sum3A_33 = tpu.scan <sum>, %get3A_30 masked %reduce_sum3A_32 : vector<16xf32>, vector<16xi1> -> vector<16xf32>
        %reduce_sum3A_34 = vector.extract %reduce_sum3A_33[15] : f32 from vector<16xf32>
        %mul3A_35 = arith.mulf %reduce_sum3A_22, %scan3A_13 : f32
        %add3A_36 = arith.addf %mul3A_35, %reduce_sum3A_34 : f32
        %broadcast_in_dim3A = vector.broadcast %scan3A_12 : i32 to vector<16xi32>
        %broadcast_in_dim3A_37 = vector.broadcast %add3A_36 : f32 to vector<16xf32>
        tpu.vector_store_idx %arg7[%broadcast_in_dim3A], %broadcast_in_dim3A_37 masked %eq3A_5 : memref<224xf32, #tpu.memory_space<vmem>>[vector<16xi32>], vector<16xf32>, vector<16xi1>
        scf.yield %add3A_36 : f32
      }
      %scan3A_11 = arith.constant 200 : i32
      "tpu.region"() ({
        %run_scoped3A = tpu.sem_alloc : memref<!tpu.dma_semaphore, #tpu.memory_space<semaphore_mem>>
        tpu.enqueue_dma source(%arg7 : memref<224xf32, #tpu.memory_space<vmem>>) target(%arg4 : memref<224xf32, #tpu.memory_space<hbm>>) target_semaphore(%run_scoped3A : memref<!tpu.dma_semaphore, #tpu.memory_space<semaphore_mem>>)
        tpu.wait_dma2 semaphore(%run_scoped3A : memref<!tpu.dma_semaphore, #tpu.memory_space<semaphore_mem>>) src(%arg7 : memref<224xf32, #tpu.memory_space<vmem>>) dst(%arg4 : memref<224xf32, #tpu.memory_space<hbm>>)
        tpu.yield
      }) : () -> ()
    } else {
    }
    return
  }
}

module attributes {stable_mosaic.version = 14 : i64} {
  func.func @_flat_body(%arg0: i32, %arg1: memref<8x4096xi32, #tpu.memory_space<vmem>>, %arg2: memref<32768xi32, #tpu.memory_space<vmem>>) attributes {dimension_semantics = [#tpu.dimension_semantics<arbitrary>], iteration_bounds = array<i64: 25>, scalar_prefetch = 0 : i64, scratch_operands = 0 : i64, tpu.core_type = #tpu.core_type<tc>, window_params = [{transform_indices = @transform_0, window_bounds = array<i64: 8, 4096>}, {transform_indices = @transform_1, window_bounds = array<i64: 32768>}]} {
    %get3A = arith.constant 0 : index
    %get3A_0 = arith.constant 0 : index
    %get3A_1 = vector.load %arg1[%get3A, %get3A_0] : memref<8x4096xi32, #tpu.memory_space<vmem>>, vector<8x4096xi32>
    %reshape3A = vector.shape_cast %get3A_1 : vector<8x4096xi32> to vector<32768xi32>
    %swap3A = arith.constant 0 : index
    %swap3A_2 = vector.load %arg2[%swap3A] : memref<32768xi32, #tpu.memory_space<vmem>>, vector<32768xi32>
    tpu.vector_store %arg2[%swap3A], %reshape3A {strides = array<i32>} : memref<32768xi32, #tpu.memory_space<vmem>>, vector<32768xi32>,
    return
  }
  func.func @transform_0(%arg0: i32) -> (i32, i32) {
    %c0_i32 = arith.constant 0 : i32
    %c0_i32_0 = arith.constant 0 : i32
    return %arg0, %c0_i32 : i32, i32
  }
  func.func @transform_1(%arg0: i32) -> i32 {
    %c0_i32 = arith.constant 0 : i32
    return %arg0 : i32
  }
}

</mosaic_0001>

<sc_bundles>
// kernel: kernel.5.cloned.1.call-start
scs
__scs_entry_jumppad:
0x0: {  	(pc) =	sbr.rel $0x88, $3  }
0x1: {  	(tag) =	ssettag $0x0;
	lr =	simm.s32 $0x1  }
0x2: {  	[smem:$0x3F9E] =	sst lr;
	_ =	strace $0xD0000000  }
0x3: {  	_ = 	snop  }
0x4: {  	_ = 	snop  }
0x5: {  	_ = 	snop  }
0x6: {  	_ = 	snop  }
0x7: {  	_ = 	snop  }
__scs_overlays_trampoline_lowered:
0x8: {  	[smem:$0x3FAD] =	sst s0  }
0x9: {  	[smem:$0x3FAE] =	sst s1  }
0xa: {  	[smem:$0x3FAF] =	sst s2  }
0xb: {  	[smem:$0x3FB0] =	sst s3  }
0xc: {  	[smem:$0x3FB1] =	sst s4  }
0xd: {  	[smem:$0x3FB2] =	sst s5  }
0xe: {  	[smem:$0x3FB3] =	sst s6  }
0xf: {  	[smem:$0x3FB4] =	sst s7  }
0x10: {  	[smem:$0x3FB5] =	sst s8  }
0x11: {  	[smem:$0x3FB6] =	sst s9;
	s0 =	simm.s32 @!p0 $0x0  }
0x12: {  	s1 =	sld [smem:$0x3F9C];
	s0 =	simm.s32 @p0 $0x1  }
0x13: {  	[smem:$0x3FB7] =	sst s0;
	s0 =	simm.s32 @!p1 $0x0  }
0x14: {  	s2 =	sld [smem:$0x3F9B];
	s0 =	simm.s32 @p1 $0x1  }
0x15: {  	[smem:$0x3FB8] =	sst s0;
	s0 =	simm.s32 @!p2 $0x0  }
0x16: {  	s3 =	sld [smem:$0x3FDB];
	s0 =	simm.s32 @p2 $0x1  }
0x17: {  	s4 =	simm.s32 $0x1BF5;
	[smem:$0x3FBA] =	sst s0  }
0x18: {  	s0 =	sld [smem:$0x3F9D];
	_ =	swait.ge [sflag:s4], $0x0  }
0x19: {  	s7 =	sld [smem:$0x3F9E]  }
0x1a: {  	s8 =	sadd.s32 $0xFFFFE003, lr  }
0x1b: {  	s9 =	sadd.s32 $0xFFFFFEF7, lr;
	s5 =	simm.s32 $0xFFFFFFFF;
	p2 =	slt.u32 s8, $0xFFFFF086  }
0x1c: {  	p1 =	slt.u32 s9, $0xF7A;
	s5 =	simm.s32 @!p2 $0x0  }
0x1d: {  	s5 =	simm.s32 @p1 $0x1;
	p0 =	seq.s32 s7, s2  }
0x1e: {  	s7 =	smul.u32 @!p0 $0xF7A, s2;
	p2 =	seq.s32 @!p0 s5, $0x0  }
0x1f: {  	s9 =	smul.u32 $0xF7A, s1;
	s8 =	simm.s32 @!p0 $0x1BF5;
	p2 =	por !p2, p0  }
0x20: {  	[sflag:s8] =	ssyncset.s32 @!p0 $0xFFFFF086;
	s6 =	sadd.s32 @!p0 s3, s7;
	s7 =	simm.s32 @!p0 $0x108  }
0x21: {  	s3 =	sadd.s32 s3, s9;
	s6 =	sadd.s32 @!p0 $0x88, s6;
	s7 =	simm.s32 @p2 $0x1082  }
0x22: {  	[simem:s7], [sflag:s8] =	dma.local @!p0 [hbm:s6], $0xF7A  }
0x23: {  	s9 =	sor.u32 $0xD0000000, s2;
	s6 =	simm.s32 $0x108;
	_ =	swait.ge @!p0 [sflag:s8], $0x0  }
0x24: {  	s3 =	sadd.s32 $0x88, s3;
	s6 =	simm.s32 @!p1 $0x1082;
	[sflag:s4] =	ssyncset.s32 $0xFFFFF086  }
0x25: {  	[simem:s6], [sflag:s4] =	dma.local [hbm:s3], $0xF7A  }
0x26: {  	[smem:$0x3F9E] =	sst s1;
	(tag) =	ssettag s2;
	_ =	strace s9  }
0x27: {  	s1 =	sld [smem:$0x3FAE]  }
0x28: {  	s2 =	sld [smem:$0x3FAF]  }
0x29: {  	s4 =	sld [smem:$0x3FB1]  }
0x2a: {  	p0 =	seq.s32 s5, $0x0;
	s5 =	sld [smem:$0x3FB2]  }
0x2b: {  	s6 =	sld [smem:$0x3FB3]  }
0x2c: {  	s7 =	sld [smem:$0x3FB4]  }
0x2d: {  	s3 =	simm.s32 $0x108;
	s8 =	sld [smem:$0x3FB5]  }
0x2e: {  	s3 =	simm.s32 @!p0 $0x1082;
	s9 =	sld [smem:$0x3FB6]  }
0x2f: {  	lr =	sadd.s32 s0, s3;
	s0 =	sld [smem:$0x3FAD]  }
0x30: {  	s3 =	sld [smem:$0x3FB0]  }
0x31: {  	[smem:$0x3FB9] =	sst s10  }
0x32: {  	s10 =	sld [smem:$0x3FB7];
	_ =	sdelay $0x3  }
0x33: {  	p0 =	seq.s32 s10, $0x1;
	s10 =	sld [smem:$0x3FB9];
	_ =	sdelay $0x3  }
0x34: {  	[smem:$0x3FB9] =	sst s10  }
0x35: {  	s10 =	sld [smem:$0x3FB8];
	_ =	sdelay $0x3  }
0x36: {  	p1 =	seq.s32 s10, $0x1;
	s10 =	sld [smem:$0x3FB9];
	_ =	sdelay $0x3  }
0x37: {  	[smem:$0x3FB9] =	sst s10  }
0x38: {  	s10 =	sld [smem:$0x3FBA]  }
0x39: {  	_ = 	snop;
	(pc) =	sbr.ind lr, $3  }
0x3a: {  	_ = 	snop  }
0x3b: {  	_ = 	snop  }
0x3c: {  	p2 =	seq.s32 s10, $0x1;
	s10 =	sld [smem:$0x3FB9]  }
0x3d: {  	_ =	shalt  }
0x3e: {  	_ =	shalt  }
0x3f: {  	_ =	shalt  }
0x40: {  	_ =	shalt  }
0x41: {  	_ =	shalt  }
0x42: {  	_ =	shalt  }
0x43: {  	_ =	shalt  }
0x44: {  	_ =	shalt  }
0x45: {  	_ =	shalt  }
0x46: {  	_ =	shalt  }
0x47: {  	_ =	shalt  }
0x48: {  	_ =	shalt  }
0x49: {  	_ =	shalt  }
0x4a: {  	_ =	shalt  }
0x4b: {  	_ =	shalt  }
0x4c: {  	_ =	shalt  }
0x4d: {  	_ =	shalt  }
0x4e: {  	_ =	shalt  }
0x4f: {  	_ =	shalt  }
0x50: {  	_ =	shalt  }
0x51: {  	_ =	shalt  }
0x52: {  	_ =	shalt  }
0x53: {  	_ =	shalt  }
0x54: {  	_ =	shalt  }
0x55: {  	_ =	shalt  }
0x56: {  	_ =	shalt  }
0x57: {  	_ =	shalt  }
0x58: {  	_ =	shalt  }
0x59: {  	_ =	shalt  }
0x5a: {  	_ =	shalt  }
0x5b: {  	_ =	shalt  }
0x5c: {  	_ =	shalt  }
0x5d: {  	_ =	shalt  }
0x5e: {  	_ =	shalt  }
0x5f: {  	_ =	shalt  }
0x60: {  	_ =	shalt  }
0x61: {  	_ =	shalt  }
0x62: {  	_ =	shalt  }
0x63: {  	_ =	shalt  }
0x64: {  	_ =	shalt  }
0x65: {  	_ =	shalt  }
0x66: {  	_ =	shalt  }
0x67: {  	_ =	shalt  }
0x68: {  	_ =	shalt  }
0x69: {  	_ =	shalt  }
0x6a: {  	_ =	shalt  }
0x6b: {  	_ =	shalt  }
0x6c: {  	_ =	shalt  }
0x6d: {  	_ =	shalt  }
0x6e: {  	_ =	shalt  }
0x6f: {  	_ =	shalt  }
0x70: {  	_ =	shalt  }
0x71: {  	_ =	shalt  }
0x72: {  	_ =	shalt  }
0x73: {  	_ =	shalt  }
0x74: {  	_ =	shalt  }
0x75: {  	_ =	shalt  }
0x76: {  	_ =	shalt  }
0x77: {  	_ =	shalt  }
0x78: {  	_ =	shalt  }
0x79: {  	_ =	shalt  }
0x7a: {  	_ =	shalt  }
0x7b: {  	_ =	shalt  }
0x7c: {  	_ =	shalt  }
0x7d: {  	_ =	shalt  }
0x7e: {  	_ =	shalt  }
0x7f: {  	_ =	shalt  }
0x80: {  	_ =	shalt  }
0x81: {  	_ =	shalt  }
0x82: {  	_ =	shalt  }
0x83: {  	_ =	shalt  }
0x84: {  	_ =	shalt  }
0x85: {  	_ =	shalt  }
0x86: {  	_ =	shalt  }
0x87: {  	_ =	shalt  }
.Lfunc_end0:
.L_simem_size_0:
called_computation_lowered:
.L_overlay_start_0:
0x88: {  	s2 =	sld [smem:$0x3FD9]  }
0x89: {  	s3 =	sld [smem:$0x3FFE];
	_ =	sdelay $0x1  }
0x8a: {  	s1 =	srdreg.scid  }
0x8b: {  	s0 =	sand.u32 $0x1, s1  }
0x8c: {  	s16 =	sshll.u32 s0, $0xA;
	s2 =	sadd.s32 s3, s2  }
0x8d: {  	s2 =	sadd.s32 s2, s16  }
0x8e: {  	[smem:$0x3FC5] =	sst s2  }
0x8f: {  	_ = 	snop  }
0x90: {  	(tm) =	ssettm $0x1  }
0x91: {  	s17 =	sld [smem:$0x3FFB];
	_ =	sdelay $0x3  }
0x92: {  	_ =	strace s17  }
0x93: {  	s2 =	sld [smem:$0x3FFC];
	_ =	sdelay $0x3  }
0x94: {  	_ =	strace s2  }
0x95: {  	s2 =	sld [smem:$0x3FFD];
	_ =	sdelay $0x3  }
0x96: {  	_ =	strace s2  }
0x97: {  	_ =	strace $0x8FFFFFFF  }
0x98: {  	s18 =	sld [smem:$0x3FDB];
	_ =	sdelay $0x1  }
0x99: {  	s19 =	simm.s32 $_scs_section_size  }
0x9a: {  	s4 =	simm.s32 $_size__tile_overlayer_lowered;
	s5 =	simm.s32 $_tile_overlayer_lowered  }
0x9b: {  	s22 =	simm.s32 $0x1BFF;
	s21 =	sshll.u32 s5, $0x1;
	s2 =	sadd.s32 s19, s18  }
0x9c: {  	s6 =	simm.s32 $0x0;
	s20 =	sshll.u32 s4, $0x1;
	s4 =	sadd.s32 s21, s2  }
0x9d: {  	[timem:s6], [sflag:s22] =	dma.local [hbm:s4], s20  }
0x9e: {  	_ =	swait.ge [sflag:s22], s20  }
0x9f: {  	s3 =	ssub.s32 $0x0, s20;
	[sflag:s22] =	ssyncset.done $0x0  }
0xa0: {  	[sflag:s22] =	ssyncadd.s32 s3;
	_ =	sdelay $0x1  }
0xa1: {  	s23 =	simm.s32 $0x1B8B  }
0xa2: {  	_ =	swait.ge [sflag:s23], $0x1  }
0xa3: {  	[sflag:s23] =	ssyncset.done $0x0  }
0xa4: {  	s25 =	simm.s32 $0x1B8E;
	s24 =	sld [smem:$0x3FFE];
	[sflag:s23] =	ssyncadd.s32 $0xFFFFFFFF  }
0xa5: {  	s26 =	simm.s32 $execute0_lowered;
	[smem:$0x3FD2] =	sst s25  }
0xa6: {  	s4 =	sshll.u32 s26, $0x1;
	_ =	strace $0x80000046;
	[dreg:$0x1] =	wrdreg $0xFFFFFFFF  }
0xa7: {  	s28 =	simm.s32 $_size_execute0_lowered;
	s2 =	sadd.s32 s2, s4;
	[dreg:$0x0] =	wrdreg $0x0  }
0xa8: {  	s4 =	sshll.u32 s28, $0x1;
	[dreg:$0x2] =	wrdreg s2  }
0xa9: {  	[dreg:$0x3] =	wrdreg s4  }
0xaa: {  	[dreg:$0x4] =	wrdreg $0xC0  }
0xab: {  	_ =	task [dreg:s6], $0x5FFFF  }
0xac: {  	[dreg:$0x1] =	wrdreg $0xFFFFFFFF  }
0xad: {  	[dreg:$0x0] =	wrdreg $0x60  }
0xae: {  	[dreg:$0x2] =	wrdreg s24  }
0xaf: {  	[dreg:$0x3] =	wrdreg $0x9  }
0xb0: {  	_ =	task.clear_ibuf [dreg:s6], $0x4FFFF;
	_ =	strace $0x90000046  }
0xb1: {  	s29 =	simm.s32 $0x9;
	_ =	strace $0x80000048  }
0xb2: {  	_ =	swait.ge [sflag:s29], $0x1  }
0xb3: {  	[sflag:s29] =	ssyncadd.s32 $0xFFFFFFFF  }
0xb4: {  	_ =	strace $0x90000048  }
0xb5: {  	_ =	sfence  }
0xb6: {  	s30 =	sld [smem:$0x0];
	_ =	sdelay $0x2  }
0xb7: {  	s31 =	sshll.u32 s1, $0xD;
	s1 =	sshrl.u32 s1, $0x2  }
0xb8: {  	s3 =	sand.u32 $0x4000, s31;
	s1 =	sadd.s32 s1, s30  }
0xb9: {  	s0 =	sor.u32 s3, s0;
	s1 =	sshll.u32 s1, $0x11  }
0xba: {  	s0 =	sor.u32 s1, s0  }
0xbb: {  	s0 =	sadd.s32 $0x8F2B, s0  }
0xbc: {  	[sflag:s0] =	ssyncadd.remote.s32 $0x1  }
0xbd: {  	_ =	sfence.sel $0xFFFF  }
0xbe: {  	[dreg:$0x0] =	wrdreg $0xFFFFFFFF;
	(pc) =	sbr.abs _section_cstart, $3  }
0xbf: {  	[dreg:$0x1] =	wrdreg $0xFFFFFFFF  }
0xc0: {  	_ =	task.clear_ibuf [dreg:s6], $0x2FFFF;
	_ =	strace $0x9FFFFFFF  }
0xc1: {  	(tm) =	ssettm $0x7FFFFFFF  }
tec
execute0_lowered:
.L_overlay_start_1:
0x0: {  	(tag) =	ssettag $0x1  }
0x1: {  	s5 =	rddreg [dreg:$0x0]  }
0x2: {  	s0 =	rddreg [dreg:$0x1];
	s3 =	srdreg.scid  }
0x3: {  	s1 =	stileid.u32;
	s2 =	simm.s32 $0x0;
	s15 =	simm.s32 $0x1  }
0x4: {  	s16 =	simm.s32 $0x2000;
	s17 =	simm.s32 $0x4000;
	s18 =	simm.s32 $0x2  }
0x5: {  	s19 =	simm.s32 $0x3000;
	s20 =	simm.s32 $0x5000;
	s21 =	simm.s32 $0x3  }
0x6: {  	s22 =	simm.s32 $0x5;
	s23 =	simm.s32 $0x4;
	s24 =	simm.s32 $0x6  }
0x7: {  	s25 =	simm.s32 $0x6000;
	s26 =	simm.s32 $0x7;
	s28 =	simm.s32 $0x0  }
0x8: {  	s4 =	sand.u32 $0x1, s3;
	s30 =	sshll.u32 s1, $0x1;
	[smem:$0x7FF] =	sst s2  }
0x9: {  	s3 =	sadd.s32 $0x1EE00, s5;
	p1 =	sgt.u32 s1, $0xD;
	s14 =	sor.u32 s4, s30  }
0xa: {  	_ =	strace $0x80000047;
	s8 =	ssub.s32 $0x2, s4;
	s6 =	smul.u32 $0xE00, s14  }
0xb: {  	s4 =	sadd.s32 $0x400, s5;
	s7 =	smul.u32 $0x1C, s14;
	s31 =	sshrl.u32 s8, $0x1  }
.Ltmp0:
0xc: {  	p0 =	sgt.u32 s14, $0x1C;
	s14 =	simm.s32 $0x1000;
	(pc) =	sbr.rel .LBB2_1-.Ltmp0, $4  }
0xd: {  	s13 =	ssub.s32 s8, s31;
	s11 =	sadd.s32 s6, s5;
	s12 =	sadd.s32 s7, s5  }
0xe: {  	s13 =	smax.u32 s13, $0x1;
	s5 =	sadd.s32 $0x3D800, s11;
	s6 =	sadd.s32 $0x3DA00, s11  }
0xf: {  	s7 =	sadd.s32 $0x3DC00, s11;
	s8 =	sadd.s32 $0x3DE00, s11;
	s9 =	sadd.s32 $0x3E000, s11  }
0x10: {  	s10 =	sadd.s32 $0x3E200, s11;
	s11 =	sadd.s32 $0x3E400, s11;
	s12 =	sadd.s32 $0x56800, s12  }
.LBB2_34:
0x11: {  	v9 =	vld [tilespmem:s29+$0x4030]  }
0x12: {  	v10 =	vld [tilespmem:s29+$0x4060]  }
0x13: {  	v11 =	vld [tilespmem:s29+$0x4070];
	_ =	sdelay $0x1  }
0x14: {  	v2 =	vadd.f32 v2, v5;
	v3 =	vadd.f32 v3, v6  }
0x15: {  	v4 =	vadd.f32 v4, v7;
	v60 =	vadd.f32 v9, v8  }
0x16: {  	v1 =	vadd.f32 v1, v2;
	v0 =	vadd.f32 v0, v3  }
0x17: {  	v61 =	vadd.f32 v10, v4;
	v62 =	vadd.f32 v11, v60;
	_ =	sdelay $0x1  }
0x18: {  	v0 =	vadd.f32 v0, v1;
	v63 =	vadd.f32 v62, v61;
	_ =	sdelay $0x1  }
0x19: {  	v0 =	vadd.f32 v63, v0;
	_ =	sdelay $0x1  }
0x1a: {  	[tilespmem:$0x60D0] =	vst v0  }
.LBB2_35:
0x1b: {  	s28 =	sadd.s32 $0x1, s28  }
0x1c: {  	p2 =	sne.s32 s28, s13  }
.Ltmp1:
0x1d: {  	_ = 	snop;
	(pc) =	sbr.rel @!p2 .LBB2_36-.Ltmp1, $4  }
0x1e: {  	[hbm4b:s12+s2] =	stream.linear.scatter [tilespmem:s25], [sflag:$0x7], $0xE0, $0x38;
	[tilespmem:$0x60E0] =	vst v63  }
0x1f: {  	_ =	swait.ge [sflag:s26], $0xE0  }
0x20: {  	[sflag:s26] =	ssyncset.done $0x0  }
0x21: {  	[sflag:s26] =	ssyncadd.s32 $0xFFFFFF20  }
.LBB2_1:
.Ltmp2:
0x22: {  	(pc) =	sbr.rel @p0 .LBB2_15-.Ltmp2, $1  }
0x23: {  	_ =	sdelay $0x3  }
0x24: {  	s29 =	simm.s32 $0x0  }
0x25: {  	[tilespmem:s29], [sflag:$0x1] =	stream.linear.gather [hbm4b:s5+s29], $0x1000, $0x38;
	[tilespmem:$0x60E0] =	vst v63  }
0x26: {  	_ = 	snop  }
0x27: {  	[tilespmem:s14], [sflag:$0x2] =	stream.linear.gather [hbm4b:s6+s29], $0x1000, $0x38;
	[tilespmem:$0x60E0] =	vst v63  }
0x28: {  	_ =	swait.ge [sflag:s15], $0x1000  }
0x29: {  	[sflag:s15] =	ssyncset.done $0x0  }
0x2a: {  	[sflag:s15] =	ssyncadd.s32 $0xFFFFF000  }
0x2b: {  	[tilespmem:s16], [sflag:$0x3] =	stream.indirect.gather [hbm4b:s3+s14], $0x1, s29, s14, $0xb8;
	[tilespmem:$0x60E0] =	vst v63  }
0x2c: {  	_ = 	snop  }
0x2d: {  	[tilespmem:s17], [sflag:$0x5] =	stream.indirect.gather [hbm4b:s4+s14], $0x1, s29, s14, $0xb8;
	[tilespmem:$0x60E0] =	vst v63  }
0x2e: {  	_ =	swait.ge [sflag:s18], $0x1000  }
0x2f: {  	[sflag:s18] =	ssyncset.done $0x0  }
0x30: {  	[sflag:s18] =	ssyncadd.s32 $0xFFFFF000  }
0x31: {  	[tilespmem:s19], [sflag:$0x4] =	stream.indirect.gather [hbm4b:s3+s14], $0x1, s14, s14, $0xb8;
	[tilespmem:$0x60E0] =	vst v63  }
0x32: {  	_ = 	snop  }
0x33: {  	[tilespmem:s20], [sflag:$0x6] =	stream.indirect.gather [hbm4b:s4+s14], $0x1, s14, s14, $0xb8;
	[tilespmem:$0x60E0] =	vst v63  }
0x34: {  	_ =	swait.ge [sflag:s21], $0x1000  }
0x35: {  	[sflag:s21] =	ssyncset.done $0x0  }
0x36: {  	s29 =	simm.s32 $0x0;
	[sflag:s21] =	ssyncadd.s32 $0xFFFFF000  }
0x37: {  	v1 =	vld [tilespmem:s29+$0x2040]  }
0x38: {  	v0 =	vld [tilespmem:s29+$0x2050]  }
0x39: {  	v2 =	vld [tilespmem:s29+$0x2000]  }
0x3a: {  	v5 =	vimm.f32 $0.0e+00;
	v3 =	vld [tilespmem:s29+$0x2010]  }
0x3b: {  	s30 =	simm.s32 $0x200;
	v6 =	vimm.f32 $0.0e+00;
	v7 =	vimm.f32 $0.0e+00;
	v8 =	vimm.f32 $0.0e+00;
	v4 =	vld [tilespmem:s29+$0x2020]  }
.LBB2_3:
0x3c: {  	p2 =	sne.s32 s30, $0x3E00;
	v9 =	vld [tilespmem:s29+$0x2030];
	v10 =	vmov v1  }
0x3d: {  	v11 =	vld [tilespmem:s29+$0x2060];
	v12 =	vmov v0  }
0x3e: {  	v13 =	vld [tilespmem:s29+$0x2070];
	s29 =	sshra.s32 s30, $0x2  }
.Ltmp3:
0x3f: {  	v1 =	vld [tilespmem:s29+$0x2040];
	(pc) =	sbr.rel @p2 .LBB2_3-.Ltmp3, $4  }
0x40: {  	v5 =	vadd.f32 v2, v5;
	v6 =	vadd.f32 v3, v6;
	v0 =	vld [tilespmem:s29+$0x2050]  }
0x41: {  	v7 =	vadd.f32 v4, v7;
	v2 =	vld [tilespmem:s29+$0x2000];
	v8 =	vadd.f32 v9, v8  }
0x42: {  	v5 =	vadd.f32 v10, v5;
	v6 =	vadd.f32 v12, v6;
	v3 =	vld [tilespmem:s29+$0x2010]  }
0x43: {  	s30 =	sadd.s32 $0x200, s30;
	v7 =	vadd.f32 v11, v7;
	v4 =	vld [tilespmem:s29+$0x2020];
	v8 =	vadd.f32 v13, v8  }
0x44: {  	v9 =	vld [tilespmem:s29+$0x2030]  }
0x45: {  	v10 =	vld [tilespmem:s29+$0x2060]  }
0x46: {  	v11 =	vld [tilespmem:s29+$0x2070];
	_ =	sdelay $0x1  }
0x47: {  	v2 =	vadd.f32 v2, v5;
	v3 =	vadd.f32 v3, v6  }
0x48: {  	v4 =	vadd.f32 v4, v7;
	v5 =	vadd.f32 v9, v8  }
0x49: {  	v1 =	vadd.f32 v1, v2;
	v0 =	vadd.f32 v0, v3  }
0x4a: {  	v2 =	vadd.f32 v10, v4;
	v3 =	vadd.f32 v11, v5;
	_ =	sdelay $0x1  }
0x4b: {  	v0 =	vadd.f32 v0, v1;
	v1 =	vadd.f32 v3, v2;
	_ =	sdelay $0x1  }
0x4c: {  	v0 =	vadd.f32 v1, v0;
	_ =	sdelay $0x1  }
0x4d: {  	[tilespmem:$0x6000] =	vst v0  }
0x4e: {  	_ =	swait.ge [sflag:s22], $0x1000  }
0x4f: {  	[sflag:s22] =	ssyncset.done $0x0  }
0x50: {  	s29 =	simm.s32 $0x0;
	[sflag:s22] =	ssyncadd.s32 $0xFFFFF000  }
0x51: {  	v1 =	vld [tilespmem:s29+$0x4040]  }
0x52: {  	v0 =	vld [tilespmem:s29+$0x4050]  }
0x53: {  	v2 =	vld [tilespmem:s29+$0x4000]  }
0x54: {  	v6 =	vimm.f32 $0.0e+00;
	v3 =	vld [tilespmem:s29+$0x4010]  }
0x55: {  	s30 =	simm.s32 $0x200;
	v7 =	vimm.f32 $0.0e+00;
	v8 =	vimm.f32 $0.0e+00;
	v5 =	vimm.f32 $0.0e+00;
	v4 =	vld [tilespmem:s29+$0x4020]  }
.LBB2_5:
0x56: {  	p2 =	sne.s32 s30, $0x3E00;
	v9 =	vld [tilespmem:s29+$0x4030];
	v10 =	vmov v1  }
0x57: {  	v11 =	vld [tilespmem:s29+$0x4060];
	v12 =	vmov v0  }
0x58: {  	v13 =	vld [tilespmem:s29+$0x4070];
	s29 =	sshra.s32 s30, $0x2  }
.Ltmp4:
0x59: {  	v1 =	vld [tilespmem:s29+$0x4040];
	(pc) =	sbr.rel @p2 .LBB2_5-.Ltmp4, $4  }
0x5a: {  	v5 =	vadd.f32 v2, v5;
	v6 =	vadd.f32 v3, v6;
	v0 =	vld [tilespmem:s29+$0x4050]  }
0x5b: {  	v7 =	vadd.f32 v4, v7;
	v2 =	vld [tilespmem:s29+$0x4000];
	v8 =	vadd.f32 v9, v8  }
0x5c: {  	v5 =	vadd.f32 v10, v5;
	v6 =	vadd.f32 v12, v6;
	v3 =	vld [tilespmem:s29+$0x4010]  }
0x5d: {  	s30 =	sadd.s32 $0x200, s30;
	v7 =	vadd.f32 v11, v7;
	v4 =	vld [tilespmem:s29+$0x4020];
	v8 =	vadd.f32 v13, v8  }
0x5e: {  	v9 =	vld [tilespmem:s29+$0x4030]  }
0x5f: {  	v10 =	vld [tilespmem:s29+$0x4060]  }
0x60: {  	v11 =	vld [tilespmem:s29+$0x4070];
	_ =	sdelay $0x1  }
0x61: {  	v2 =	vadd.f32 v2, v5;
	v3 =	vadd.f32 v3, v6  }
0x62: {  	v4 =	vadd.f32 v4, v7;
	v5 =	vadd.f32 v9, v8  }
0x63: {  	v1 =	vadd.f32 v1, v2;
	v0 =	vadd.f32 v0, v3  }
0x64: {  	v2 =	vadd.f32 v10, v4;
	v3 =	vadd.f32 v11, v5;
	_ =	sdelay $0x1  }
0x65: {  	v0 =	vadd.f32 v0, v1;
	v1 =	vadd.f32 v3, v2;
	_ =	sdelay $0x1  }
0x66: {  	v0 =	vadd.f32 v1, v0;
	_ =	sdelay $0x1  }
0x67: {  	s29 =	simm.s32 $0x0;
	[tilespmem:$0x6010] =	vst v0  }
0x68: {  	[tilespmem:s29], [sflag:$0x1] =	stream.linear.gather [hbm4b:s7+s29], $0x1000, $0x38;
	[tilespmem:$0x60E0] =	vst v63  }
0x69: {  	_ =	swait.ge [sflag:s15], $0x1000  }
0x6a: {  	[sflag:s15] =	ssyncset.done $0x0  }
0x6b: {  	[sflag:s15] =	ssyncadd.s32 $0xFFFFF000  }
0x6c: {  	[tilespmem:s16], [sflag:$0x3] =	stream.indirect.gather [hbm4b:s3+s14], $0x1, s29, s14, $0xb8;
	[tilespmem:$0x60E0] =	vst v63  }
0x6d: {  	_ = 	snop  }
0x6e: {  	[tilespmem:s17], [sflag:$0x5] =	stream.indirect.gather [hbm4b:s4+s14], $0x1, s29, s14, $0xb8;
	[tilespmem:$0x60E0] =	vst v63  }
0x6f: {  	_ =	swait.ge [sflag:s23], $0x1000  }
0x70: {  	[sflag:s23] =	ssyncset.done $0x0  }
0x71: {  	s29 =	simm.s32 $0x0;
	[sflag:s23] =	ssyncadd.s32 $0xFFFFF000  }
0x72: {  	v1 =	vld [tilespmem:s29+$0x3040]  }
0x73: {  	v0 =	vld [tilespmem:s29+$0x3050]  }
0x74: {  	v2 =	vld [tilespmem:s29+$0x3000]  }
0x75: {  	v6 =	vimm.f32 $0.0e+00;
	v3 =	vld [tilespmem:s29+$0x3010]  }
0x76: {  	s30 =	simm.s32 $0x200;
	v7 =	vimm.f32 $0.0e+00;
	v8 =	vimm.f32 $0.0e+00;
	v5 =	vimm.f32 $0.0e+00;
	v4 =	vld [tilespmem:s29+$0x3020]  }
.LBB2_7:
0x77: {  	p2 =	sne.s32 s30, $0x3E00;
	v9 =	vld [tilespmem:s29+$0x3030];
	v10 =	vmov v1  }
0x78: {  	v11 =	vld [tilespmem:s29+$0x3060];
	v12 =	vmov v0  }
0x79: {  	v13 =	vld [tilespmem:s29+$0x3070];
	s29 =	sshra.s32 s30, $0x2  }
.Ltmp5:
0x7a: {  	v1 =	vld [tilespmem:s29+$0x3040];
	(pc) =	sbr.rel @p2 .LBB2_7-.Ltmp5, $4  }
0x7b: {  	v5 =	vadd.f32 v2, v5;
	v6 =	vadd.f32 v3, v6;
	v0 =	vld [tilespmem:s29+$0x3050]  }
0x7c: {  	v7 =	vadd.f32 v4, v7;
	v2 =	vld [tilespmem:s29+$0x3000];
	v8 =	vadd.f32 v9, v8  }
0x7d: {  	v5 =	vadd.f32 v10, v5;
	v6 =	vadd.f32 v12, v6;
	v3 =	vld [tilespmem:s29+$0x3010]  }
0x7e: {  	s30 =	sadd.s32 $0x200, s30;
	v7 =	vadd.f32 v11, v7;
	v4 =	vld [tilespmem:s29+$0x3020];
	v8 =	vadd.f32 v13, v8  }
0x7f: {  	v9 =	vld [tilespmem:s29+$0x3030]  }
0x80: {  	v10 =	vld [tilespmem:s29+$0x3060]  }
0x81: {  	v11 =	vld [tilespmem:s29+$0x3070];
	_ =	sdelay $0x1  }
0x82: {  	v2 =	vadd.f32 v2, v5;
	v3 =	vadd.f32 v3, v6  }
0x83: {  	v4 =	vadd.f32 v4, v7;
	v5 =	vadd.f32 v9, v8  }
0x84: {  	v1 =	vadd.f32 v1, v2;
	v0 =	vadd.f32 v0, v3  }
0x85: {  	v2 =	vadd.f32 v10, v4;
	v3 =	vadd.f32 v11, v5;
	_ =	sdelay $0x1  }
0x86: {  	v0 =	vadd.f32 v0, v1;
	v1 =	vadd.f32 v3, v2;
	_ =	sdelay $0x1  }
0x87: {  	v0 =	vadd.f32 v1, v0;
	_ =	sdelay $0x1  }
0x88: {  	[tilespmem:$0x6020] =	vst v0  }
0x89: {  	_ =	swait.ge [sflag:s24], $0x1000  }
0x8a: {  	[sflag:s24] =	ssyncset.done $0x0  }
0x8b: {  	s29 =	simm.s32 $0x0;
	[sflag:s24] =	ssyncadd.s32 $0xFFFFF000  }
0x8c: {  	v1 =	vld [tilespmem:s29+$0x5040]  }
0x8d: {  	v0 =	vld [tilespmem:s29+$0x5050]  }
0x8e: {  	v2 =	vld [tilespmem:s29+$0x5000]  }
0x8f: {  	v6 =	vimm.f32 $0.0e+00;
	v3 =	vld [tilespmem:s29+$0x5010]  }
0x90: {  	s30 =	simm.s32 $0x200;
	v7 =	vimm.f32 $0.0e+00;
	v8 =	vimm.f32 $0.0e+00;
	v5 =	vimm.f32 $0.0e+00;
	v4 =	vld [tilespmem:s29+$0x5020]  }
.LBB2_9:
0x91: {  	p2 =	sne.s32 s30, $0x3E00;
	v9 =	vld [tilespmem:s29+$0x5030];
	v10 =	vmov v1  }
0x92: {  	v11 =	vld [tilespmem:s29+$0x5060];
	v12 =	vmov v0  }
0x93: {  	v13 =	vld [tilespmem:s29+$0x5070];
	s29 =	sshra.s32 s30, $0x2  }
.Ltmp6:
0x94: {  	v1 =	vld [tilespmem:s29+$0x5040];
	(pc) =	sbr.rel @p2 .LBB2_9-.Ltmp6, $4  }
0x95: {  	v5 =	vadd.f32 v2, v5;
	v6 =	vadd.f32 v3, v6;
	v0 =	vld [tilespmem:s29+$0x5050]  }
0x96: {  	v7 =	vadd.f32 v4, v7;
	v2 =	vld [tilespmem:s29+$0x5000];
	v8 =	vadd.f32 v9, v8  }
0x97: {  	v5 =	vadd.f32 v10, v5;
	v6 =	vadd.f32 v12, v6;
	v3 =	vld [tilespmem:s29+$0x5010]  }
0x98: {  	s30 =	sadd.s32 $0x200, s30;
	v7 =	vadd.f32 v11, v7;
	v4 =	vld [tilespmem:s29+$0x5020];
	v8 =	vadd.f32 v13, v8  }
0x99: {  	v9 =	vld [tilespmem:s29+$0x5030]  }
0x9a: {  	v10 =	vld [tilespmem:s29+$0x5060]  }
0x9b: {  	v11 =	vld [tilespmem:s29+$0x5070];
	_ =	sdelay $0x1  }
0x9c: {  	v2 =	vadd.f32 v2, v5;
	v3 =	vadd.f32 v3, v6  }
0x9d: {  	v4 =	vadd.f32 v4, v7;
	v5 =	vadd.f32 v9, v8  }
0x9e: {  	v1 =	vadd.f32 v1, v2;
	v0 =	vadd.f32 v0, v3  }
0x9f: {  	v2 =	vadd.f32 v10, v4;
	v3 =	vadd.f32 v11, v5;
	_ =	sdelay $0x1  }
0xa0: {  	v0 =	vadd.f32 v0, v1;
	v1 =	vadd.f32 v3, v2;
	_ =	sdelay $0x1  }
0xa1: {  	v0 =	vadd.f32 v1, v0;
	_ =	sdelay $0x1  }
0xa2: {  	s29 =	simm.s32 $0x0;
	[tilespmem:$0x6030] =	vst v0  }
0xa3: {  	[tilespmem:s14], [sflag:$0x2] =	stream.linear.gather [hbm4b:s8+s29], $0x1000, $0x38;
	[tilespmem:$0x60E0] =	vst v63  }
0xa4: {  	_ =	swait.ge [sflag:s18], $0x1000  }
0xa5: {  	[sflag:s18] =	ssyncset.done $0x0  }
0xa6: {  	[sflag:s18] =	ssyncadd.s32 $0xFFFFF000  }
0xa7: {  	[tilespmem:s19], [sflag:$0x4] =	stream.indirect.gather [hbm4b:s3+s14], $0x1, s14, s14, $0xb8;
	[tilespmem:$0x60E0] =	vst v63  }
0xa8: {  	_ = 	snop  }
0xa9: {  	[tilespmem:s20], [sflag:$0x6] =	stream.indirect.gather [hbm4b:s4+s14], $0x1, s14, s14, $0xb8;
	[tilespmem:$0x60E0] =	vst v63  }
0xaa: {  	_ =	swait.ge [sflag:s21], $0x1000  }
0xab: {  	[sflag:s21] =	ssyncset.done $0x0  }
0xac: {  	s29 =	simm.s32 $0x0;
	[sflag:s21] =	ssyncadd.s32 $0xFFFFF000  }
0xad: {  	v1 =	vld [tilespmem:s29+$0x2040]  }
0xae: {  	v0 =	vld [tilespmem:s29+$0x2050]  }
0xaf: {  	v2 =	vld [tilespmem:s29+$0x2000]  }
0xb0: {  	v6 =	vimm.f32 $0.0e+00;
	v3 =	vld [tilespmem:s29+$0x2010]  }
0xb1: {  	s30 =	simm.s32 $0x200;
	v7 =	vimm.f32 $0.0e+00;
	v8 =	vimm.f32 $0.0e+00;
	v5 =	vimm.f32 $0.0e+00;
	v4 =	vld [tilespmem:s29+$0x2020]  }
.LBB2_11:
0xb2: {  	p2 =	sne.s32 s30, $0x3E00;
	v9 =	vld [tilespmem:s29+$0x2030];
	v10 =	vmov v1  }
0xb3: {  	v11 =	vld [tilespmem:s29+$0x2060];
	v12 =	vmov v0  }
0xb4: {  	v13 =	vld [tilespmem:s29+$0x2070];
	s29 =	sshra.s32 s30, $0x2  }
.Ltmp7:
0xb5: {  	v1 =	vld [tilespmem:s29+$0x2040];
	(pc) =	sbr.rel @p2 .LBB2_11-.Ltmp7, $4  }
0xb6: {  	v5 =	vadd.f32 v2, v5;
	v6 =	vadd.f32 v3, v6;
	v0 =	vld [tilespmem:s29+$0x2050]  }
0xb7: {  	v7 =	vadd.f32 v4, v7;
	v2 =	vld [tilespmem:s29+$0x2000];
	v8 =	vadd.f32 v9, v8  }
0xb8: {  	v5 =	vadd.f32 v10, v5;
	v6 =	vadd.f32 v12, v6;
	v3 =	vld [tilespmem:s29+$0x2010]  }
0xb9: {  	s30 =	sadd.s32 $0x200, s30;
	v7 =	vadd.f32 v11, v7;
	v4 =	vld [tilespmem:s29+$0x2020];
	v8 =	vadd.f32 v13, v8  }
0xba: {  	v9 =	vld [tilespmem:s29+$0x2030]  }
0xbb: {  	v10 =	vld [tilespmem:s29+$0x2060]  }
0xbc: {  	v11 =	vld [tilespmem:s29+$0x2070];
	_ =	sdelay $0x1  }
0xbd: {  	v2 =	vadd.f32 v2, v5;
	v3 =	vadd.f32 v3, v6  }
0xbe: {  	v4 =	vadd.f32 v4, v7;
	v5 =	vadd.f32 v9, v8  }
0xbf: {  	v1 =	vadd.f32 v1, v2;
	v0 =	vadd.f32 v0, v3  }
0xc0: {  	v2 =	vadd.f32 v10, v4;
	v3 =	vadd.f32 v11, v5;
	_ =	sdelay $0x1  }
0xc1: {  	v0 =	vadd.f32 v0, v1;
	v1 =	vadd.f32 v3, v2;
	_ =	sdelay $0x1  }
0xc2: {  	v0 =	vadd.f32 v1, v0;
	_ =	sdelay $0x1  }
0xc3: {  	[tilespmem:$0x6040] =	vst v0  }
0xc4: {  	_ =	swait.ge [sflag:s22], $0x1000  }
0xc5: {  	[sflag:s22] =	ssyncset.done $0x0  }
0xc6: {  	s29 =	simm.s32 $0x0;
	[sflag:s22] =	ssyncadd.s32 $0xFFFFF000  }
0xc7: {  	v1 =	vld [tilespmem:s29+$0x4040]  }
0xc8: {  	v0 =	vld [tilespmem:s29+$0x4050]  }
0xc9: {  	v2 =	vld [tilespmem:s29+$0x4000]  }
0xca: {  	v6 =	vimm.f32 $0.0e+00;
	v3 =	vld [tilespmem:s29+$0x4010]  }
0xcb: {  	s30 =	simm.s32 $0x200;
	v7 =	vimm.f32 $0.0e+00;
	v8 =	vimm.f32 $0.0e+00;
	v5 =	vimm.f32 $0.0e+00;
	v4 =	vld [tilespmem:s29+$0x4020]  }
.LBB2_13:
0xcc: {  	p2 =	sne.s32 s30, $0x3E00;
	v9 =	vld [tilespmem:s29+$0x4030];
	v10 =	vmov v1  }
0xcd: {  	v11 =	vld [tilespmem:s29+$0x4060];
	v12 =	vmov v0  }
0xce: {  	v13 =	vld [tilespmem:s29+$0x4070];
	s29 =	sshra.s32 s30, $0x2  }
.Ltmp8:
0xcf: {  	v1 =	vld [tilespmem:s29+$0x4040];
	(pc) =	sbr.rel @p2 .LBB2_13-.Ltmp8, $4  }
0xd0: {  	v5 =	vadd.f32 v2, v5;
	v6 =	vadd.f32 v3, v6;
	v0 =	vld [tilespmem:s29+$0x4050]  }
0xd1: {  	v7 =	vadd.f32 v4, v7;
	v2 =	vld [tilespmem:s29+$0x4000];
	v8 =	vadd.f32 v9, v8  }
0xd2: {  	v5 =	vadd.f32 v10, v5;
	v6 =	vadd.f32 v12, v6;
	v3 =	vld [tilespmem:s29+$0x4010]  }
0xd3: {  	s30 =	sadd.s32 $0x200, s30;
	v7 =	vadd.f32 v11, v7;
	v4 =	vld [tilespmem:s29+$0x4020];
	v8 =	vadd.f32 v13, v8  }
0xd4: {  	v9 =	vld [tilespmem:s29+$0x4030]  }
0xd5: {  	v10 =	vld [tilespmem:s29+$0x4060]  }
0xd6: {  	v11 =	vld [tilespmem:s29+$0x4070];
	_ =	sdelay $0x1  }
0xd7: {  	v2 =	vadd.f32 v2, v5;
	v3 =	vadd.f32 v3, v6  }
0xd8: {  	v4 =	vadd.f32 v4, v7;
	v60 =	vadd.f32 v9, v8  }
0xd9: {  	v1 =	vadd.f32 v1, v2;
	v0 =	vadd.f32 v0, v3  }
0xda: {  	v61 =	vadd.f32 v10, v4;
	v62 =	vadd.f32 v11, v60;
	_ =	sdelay $0x1  }
0xdb: {  	v0 =	vadd.f32 v0, v1;
	v63 =	vadd.f32 v62, v61;
	_ =	sdelay $0x1  }
0xdc: {  	v0 =	vadd.f32 v63, v0;
	_ =	sdelay $0x1  }
0xdd: {  	[tilespmem:$0x6050] =	vst v0  }
.LBB2_15:
0xde: {  	s29 =	simm.s32 @!p1 $0x0;
	s30 =	simm.s32 @!p1 $0x1  }
0xdf: {  	[tilespmem:s29], [sflag:$0x1] =	stream.linear.gather @!p1 [hbm4b:s9+s29], $0x1000, $0x38;
	[tilespmem:$0x60E0] =	vst v63  }
0xe0: {  	_ =	swait.ge @!p1 [sflag:s30], $0x1000  }
.Ltmp9:
0xe1: {  	[sflag:s30] =	ssyncset.done @!p1 $0x0;
	(pc) =	sbr.rel @p0 .LBB2_21-.Ltmp9, $4  }
0xe2: {  	s31 =	simm.s32 @!p1 $0x2000;
	[sflag:s30] =	ssyncadd.s32 @!p1 $0xFFFFF000;
	s30 =	simm.s32 @!p1 $0x1000  }
0xe3: {  	[tilespmem:s31], [sflag:$0x3] =	stream.indirect.gather @!p1 [hbm4b:s3+s30], $0x1, s29, s30, $0xb8;
	[tilespmem:$0x60E0] =	vst v63  }
0xe4: {  	s31 =	simm.s32 @!p1 $0x4000  }
0xe5: {  	[tilespmem:s31], [sflag:$0x5] =	stream.indirect.gather @!p1 [hbm4b:s4+s30], $0x1, s29, s30, $0xb8;
	[tilespmem:$0x60E0] =	vst v63  }
0xe6: {  	_ =	swait.ge [sflag:s23], $0x1000  }
0xe7: {  	[sflag:s23] =	ssyncset.done $0x0  }
0xe8: {  	s29 =	simm.s32 $0x0;
	[sflag:s23] =	ssyncadd.s32 $0xFFFFF000  }
0xe9: {  	v1 =	vld [tilespmem:s29+$0x3040]  }
0xea: {  	v0 =	vld [tilespmem:s29+$0x3050]  }
0xeb: {  	v2 =	vld [tilespmem:s29+$0x3000]  }
0xec: {  	v5 =	vimm.f32 $0.0e+00;
	v3 =	vld [tilespmem:s29+$0x3010]  }
0xed: {  	s30 =	simm.s32 $0x200;
	v6 =	vimm.f32 $0.0e+00;
	v7 =	vimm.f32 $0.0e+00;
	v8 =	vimm.f32 $0.0e+00;
	v4 =	vld [tilespmem:s29+$0x3020]  }
.LBB2_17:
0xee: {  	p2 =	sne.s32 s30, $0x3E00;
	v9 =	vld [tilespmem:s29+$0x3030];
	v10 =	vmov v1  }
0xef: {  	v11 =	vld [tilespmem:s29+$0x3060];
	v12 =	vmov v0  }
0xf0: {  	v13 =	vld [tilespmem:s29+$0x3070];
	s29 =	sshra.s32 s30, $0x2  }
.Ltmp10:
0xf1: {  	v1 =	vld [tilespmem:s29+$0x3040];
	(pc) =	sbr.rel @p2 .LBB2_17-.Ltmp10, $4  }
0xf2: {  	v5 =	vadd.f32 v2, v5;
	v6 =	vadd.f32 v3, v6;
	v0 =	vld [tilespmem:s29+$0x3050]  }
0xf3: {  	v7 =	vadd.f32 v4, v7;
	v2 =	vld [tilespmem:s29+$0x3000];
	v8 =	vadd.f32 v9, v8  }
0xf4: {  	v5 =	vadd.f32 v10, v5;
	v6 =	vadd.f32 v12, v6;
	v3 =	vld [tilespmem:s29+$0x3010]  }
0xf5: {  	s30 =	sadd.s32 $0x200, s30;
	v7 =	vadd.f32 v11, v7;
	v4 =	vld [tilespmem:s29+$0x3020];
	v8 =	vadd.f32 v13, v8  }
0xf6: {  	v9 =	vld [tilespmem:s29+$0x3030]  }
0xf7: {  	v10 =	vld [tilespmem:s29+$0x3060]  }
0xf8: {  	v11 =	vld [tilespmem:s29+$0x3070];
	_ =	sdelay $0x1  }
0xf9: {  	v2 =	vadd.f32 v2, v5;
	v3 =	vadd.f32 v3, v6  }
0xfa: {  	v4 =	vadd.f32 v4, v7;
	v5 =	vadd.f32 v9, v8  }
0xfb: {  	v1 =	vadd.f32 v1, v2;
	v0 =	vadd.f32 v0, v3  }
0xfc: {  	v2 =	vadd.f32 v10, v4;
	v3 =	vadd.f32 v11, v5;
	_ =	sdelay $0x1  }
0xfd: {  	v0 =	vadd.f32 v0, v1;
	v1 =	vadd.f32 v3, v2;
	_ =	sdelay $0x1  }
0xfe: {  	v0 =	vadd.f32 v1, v0;
	_ =	sdelay $0x1  }
0xff: {  	[tilespmem:$0x6060] =	vst v0  }
0x100: {  	_ =	swait.ge [sflag:s24], $0x1000  }
0x101: {  	[sflag:s24] =	ssyncset.done $0x0  }
0x102: {  	s29 =	simm.s32 $0x0;
	[sflag:s24] =	ssyncadd.s32 $0xFFFFF000  }
0x103: {  	v1 =	vld [tilespmem:s29+$0x5040]  }
0x104: {  	v0 =	vld [tilespmem:s29+$0x5050]  }
0x105: {  	v2 =	vld [tilespmem:s29+$0x5000]  }
0x106: {  	v6 =	vimm.f32 $0.0e+00;
	v3 =	vld [tilespmem:s29+$0x5010]  }
0x107: {  	s30 =	simm.s32 $0x200;
	v7 =	vimm.f32 $0.0e+00;
	v8 =	vimm.f32 $0.0e+00;
	v5 =	vimm.f32 $0.0e+00;
	v4 =	vld [tilespmem:s29+$0x5020]  }
.LBB2_19:
0x108: {  	p2 =	sne.s32 s30, $0x3E00;
	v9 =	vld [tilespmem:s29+$0x5030];
	v10 =	vmov v1  }
0x109: {  	v11 =	vld [tilespmem:s29+$0x5060];
	v12 =	vmov v0  }
0x10a: {  	v13 =	vld [tilespmem:s29+$0x5070];
	s29 =	sshra.s32 s30, $0x2  }
.Ltmp11:
0x10b: {  	v1 =	vld [tilespmem:s29+$0x5040];
	(pc) =	sbr.rel @p2 .LBB2_19-.Ltmp11, $4  }
0x10c: {  	v5 =	vadd.f32 v2, v5;
	v6 =	vadd.f32 v3, v6;
	v0 =	vld [tilespmem:s29+$0x5050]  }
0x10d: {  	v7 =	vadd.f32 v4, v7;
	v2 =	vld [tilespmem:s29+$0x5000];
	v8 =	vadd.f32 v9, v8  }
0x10e: {  	v5 =	vadd.f32 v10, v5;
	v6 =	vadd.f32 v12, v6;
	v3 =	vld [tilespmem:s29+$0x5010]  }
0x10f: {  	s30 =	sadd.s32 $0x200, s30;
	v7 =	vadd.f32 v11, v7;
	v4 =	vld [tilespmem:s29+$0x5020];
	v8 =	vadd.f32 v13, v8  }
0x110: {  	v9 =	vld [tilespmem:s29+$0x5030]  }
0x111: {  	v10 =	vld [tilespmem:s29+$0x5060]  }
0x112: {  	v11 =	vld [tilespmem:s29+$0x5070];
	_ =	sdelay $0x1  }
0x113: {  	v2 =	vadd.f32 v2, v5;
	v3 =	vadd.f32 v3, v6  }
0x114: {  	v4 =	vadd.f32 v4, v7;
	v60 =	vadd.f32 v9, v8  }
0x115: {  	v1 =	vadd.f32 v1, v2;
	v0 =	vadd.f32 v0, v3  }
0x116: {  	v61 =	vadd.f32 v10, v4;
	v62 =	vadd.f32 v11, v60;
	_ =	sdelay $0x1  }
0x117: {  	v0 =	vadd.f32 v0, v1;
	v63 =	vadd.f32 v62, v61;
	_ =	sdelay $0x1  }
0x118: {  	v0 =	vadd.f32 v63, v0;
	_ =	sdelay $0x1  }
0x119: {  	[tilespmem:$0x6070] =	vst v0  }
.LBB2_21:
.Ltmp12:
0x11a: {  	(pc) =	sbr.rel @p1 .LBB2_35-.Ltmp12, $1  }
0x11b: {  	_ =	sdelay $0x3  }
0x11c: {  	s29 =	simm.s32 $0x0  }
0x11d: {  	[tilespmem:s14], [sflag:$0x2] =	stream.linear.gather [hbm4b:s10+s29], $0x1000, $0x38;
	[tilespmem:$0x60E0] =	vst v63  }
0x11e: {  	_ =	swait.ge [sflag:s18], $0x1000  }
0x11f: {  	[sflag:s18] =	ssyncset.done $0x0  }
0x120: {  	[sflag:s18] =	ssyncadd.s32 $0xFFFFF000  }
0x121: {  	[tilespmem:s19], [sflag:$0x4] =	stream.indirect.gather [hbm4b:s3+s14], $0x1, s14, s14, $0xb8;
	[tilespmem:$0x60E0] =	vst v63  }
0x122: {  	_ = 	snop  }
0x123: {  	[tilespmem:s20], [sflag:$0x6] =	stream.indirect.gather [hbm4b:s4+s14], $0x1, s14, s14, $0xb8;
	[tilespmem:$0x60E0] =	vst v63  }
0x124: {  	_ =	swait.ge [sflag:s21], $0x1000  }
0x125: {  	[sflag:s21] =	ssyncset.done $0x0  }
0x126: {  	s29 =	simm.s32 $0x0;
	[sflag:s21] =	ssyncadd.s32 $0xFFFFF000  }
0x127: {  	v1 =	vld [tilespmem:s29+$0x2040]  }
0x128: {  	v0 =	vld [tilespmem:s29+$0x2050]  }
0x129: {  	v2 =	vld [tilespmem:s29+$0x2000]  }
0x12a: {  	v5 =	vimm.f32 $0.0e+00;
	v3 =	vld [tilespmem:s29+$0x2010]  }
0x12b: {  	s30 =	simm.s32 $0x200;
	v6 =	vimm.f32 $0.0e+00;
	v7 =	vimm.f32 $0.0e+00;
	v8 =	vimm.f32 $0.0e+00;
	v4 =	vld [tilespmem:s29+$0x2020]  }
.LBB2_23:
0x12c: {  	p2 =	sne.s32 s30, $0x3E00;
	v9 =	vld [tilespmem:s29+$0x2030];
	v10 =	vmov v1  }
0x12d: {  	v11 =	vld [tilespmem:s29+$0x2060];
	v12 =	vmov v0  }
0x12e: {  	v13 =	vld [tilespmem:s29+$0x2070];
	s29 =	sshra.s32 s30, $0x2  }
.Ltmp13:
0x12f: {  	v1 =	vld [tilespmem:s29+$0x2040];
	(pc) =	sbr.rel @p2 .LBB2_23-.Ltmp13, $4  }
0x130: {  	v5 =	vadd.f32 v2, v5;
	v6 =	vadd.f32 v3, v6;
	v0 =	vld [tilespmem:s29+$0x2050]  }
0x131: {  	v7 =	vadd.f32 v4, v7;
	v2 =	vld [tilespmem:s29+$0x2000];
	v8 =	vadd.f32 v9, v8  }
0x132: {  	v5 =	vadd.f32 v10, v5;
	v6 =	vadd.f32 v12, v6;
	v3 =	vld [tilespmem:s29+$0x2010]  }
0x133: {  	s30 =	sadd.s32 $0x200, s30;
	v7 =	vadd.f32 v11, v7;
	v4 =	vld [tilespmem:s29+$0x2020];
	v8 =	vadd.f32 v13, v8  }
0x134: {  	v9 =	vld [tilespmem:s29+$0x2030]  }
0x135: {  	v10 =	vld [tilespmem:s29+$0x2060]  }
0x136: {  	v11 =	vld [tilespmem:s29+$0x2070];
	_ =	sdelay $0x1  }
0x137: {  	v2 =	vadd.f32 v2, v5;
	v3 =	vadd.f32 v3, v6  }
0x138: {  	v4 =	vadd.f32 v4, v7;
	v5 =	vadd.f32 v9, v8  }
0x139: {  	v1 =	vadd.f32 v1, v2;
	v0 =	vadd.f32 v0, v3  }
0x13a: {  	v2 =	vadd.f32 v10, v4;
	v3 =	vadd.f32 v11, v5;
	_ =	sdelay $0x1  }
0x13b: {  	v0 =	vadd.f32 v0, v1;
	v1 =	vadd.f32 v3, v2;
	_ =	sdelay $0x1  }
0x13c: {  	v0 =	vadd.f32 v1, v0;
	_ =	sdelay $0x1  }
0x13d: {  	[tilespmem:$0x6080] =	vst v0  }
0x13e: {  	_ =	swait.ge [sflag:s22], $0x1000  }
0x13f: {  	[sflag:s22] =	ssyncset.done $0x0  }
0x140: {  	s29 =	simm.s32 $0x0;
	[sflag:s22] =	ssyncadd.s32 $0xFFFFF000  }
0x141: {  	v1 =	vld [tilespmem:s29+$0x4040]  }
0x142: {  	v0 =	vld [tilespmem:s29+$0x4050]  }
0x143: {  	v2 =	vld [tilespmem:s29+$0x4000]  }
0x144: {  	v6 =	vimm.f32 $0.0e+00;
	v3 =	vld [tilespmem:s29+$0x4010]  }
0x145: {  	s30 =	simm.s32 $0x200;
	v7 =	vimm.f32 $0.0e+00;
	v8 =	vimm.f32 $0.0e+00;
	v5 =	vimm.f32 $0.0e+00;
	v4 =	vld [tilespmem:s29+$0x4020]  }
.LBB2_25:
0x146: {  	p2 =	sne.s32 s30, $0x3E00;
	v9 =	vld [tilespmem:s29+$0x4030];
	v10 =	vmov v1  }
0x147: {  	v11 =	vld [tilespmem:s29+$0x4060];
	v12 =	vmov v0  }
0x148: {  	v13 =	vld [tilespmem:s29+$0x4070];
	s29 =	sshra.s32 s30, $0x2  }
.Ltmp14:
0x149: {  	v1 =	vld [tilespmem:s29+$0x4040];
	(pc) =	sbr.rel @p2 .LBB2_25-.Ltmp14, $4  }
0x14a: {  	v5 =	vadd.f32 v2, v5;
	v6 =	vadd.f32 v3, v6;
	v0 =	vld [tilespmem:s29+$0x4050]  }
0x14b: {  	v7 =	vadd.f32 v4, v7;
	v2 =	vld [tilespmem:s29+$0x4000];
	v8 =	vadd.f32 v9, v8  }
0x14c: {  	v5 =	vadd.f32 v10, v5;
	v6 =	vadd.f32 v12, v6;
	v3 =	vld [tilespmem:s29+$0x4010]  }
0x14d: {  	s30 =	sadd.s32 $0x200, s30;
	v7 =	vadd.f32 v11, v7;
	v4 =	vld [tilespmem:s29+$0x4020];
	v8 =	vadd.f32 v13, v8  }
0x14e: {  	v9 =	vld [tilespmem:s29+$0x4030]  }
0x14f: {  	v10 =	vld [tilespmem:s29+$0x4060]  }
0x150: {  	v11 =	vld [tilespmem:s29+$0x4070];
	_ =	sdelay $0x1  }
0x151: {  	v2 =	vadd.f32 v2, v5;
	v3 =	vadd.f32 v3, v6  }
0x152: {  	v4 =	vadd.f32 v4, v7;
	v5 =	vadd.f32 v9, v8  }
0x153: {  	v1 =	vadd.f32 v1, v2;
	v0 =	vadd.f32 v0, v3  }
0x154: {  	v2 =	vadd.f32 v10, v4;
	v3 =	vadd.f32 v11, v5;
	_ =	sdelay $0x1  }
0x155: {  	v0 =	vadd.f32 v0, v1;
	v1 =	vadd.f32 v3, v2;
	_ =	sdelay $0x1  }
0x156: {  	v0 =	vadd.f32 v1, v0;
	_ =	sdelay $0x1  }
0x157: {  	s29 =	simm.s32 $0x0;
	[tilespmem:$0x6090] =	vst v0  }
0x158: {  	[tilespmem:s29], [sflag:$0x1] =	stream.linear.gather [hbm4b:s11+s29], $0x1000, $0x38;
	[tilespmem:$0x60E0] =	vst v63  }
0x159: {  	_ =	swait.ge [sflag:s15], $0x1000  }
0x15a: {  	[sflag:s15] =	ssyncset.done $0x0  }
0x15b: {  	[sflag:s15] =	ssyncadd.s32 $0xFFFFF000  }
0x15c: {  	[tilespmem:s16], [sflag:$0x3] =	stream.indirect.gather [hbm4b:s3+s14], $0x1, s29, s14, $0xb8;
	[tilespmem:$0x60E0] =	vst v63  }
0x15d: {  	_ = 	snop  }
0x15e: {  	[tilespmem:s17], [sflag:$0x5] =	stream.indirect.gather [hbm4b:s4+s14], $0x1, s29, s14, $0xb8;
	[tilespmem:$0x60E0] =	vst v63  }
0x15f: {  	_ =	swait.ge [sflag:s23], $0x1000  }
0x160: {  	[sflag:s23] =	ssyncset.done $0x0  }
0x161: {  	s29 =	simm.s32 $0x0;
	[sflag:s23] =	ssyncadd.s32 $0xFFFFF000  }
0x162: {  	v1 =	vld [tilespmem:s29+$0x3040]  }
0x163: {  	v0 =	vld [tilespmem:s29+$0x3050]  }
0x164: {  	v2 =	vld [tilespmem:s29+$0x3000]  }
0x165: {  	v6 =	vimm.f32 $0.0e+00;
	v3 =	vld [tilespmem:s29+$0x3010]  }
0x166: {  	s30 =	simm.s32 $0x200;
	v7 =	vimm.f32 $0.0e+00;
	v8 =	vimm.f32 $0.0e+00;
	v5 =	vimm.f32 $0.0e+00;
	v4 =	vld [tilespmem:s29+$0x3020]  }
.LBB2_27:
0x167: {  	p2 =	sne.s32 s30, $0x3E00;
	v9 =	vld [tilespmem:s29+$0x3030];
	v10 =	vmov v1  }
0x168: {  	v11 =	vld [tilespmem:s29+$0x3060];
	v12 =	vmov v0  }
0x169: {  	v13 =	vld [tilespmem:s29+$0x3070];
	s29 =	sshra.s32 s30, $0x2  }
.Ltmp15:
0x16a: {  	v1 =	vld [tilespmem:s29+$0x3040];
	(pc) =	sbr.rel @p2 .LBB2_27-.Ltmp15, $4  }
0x16b: {  	v5 =	vadd.f32 v2, v5;
	v6 =	vadd.f32 v3, v6;
	v0 =	vld [tilespmem:s29+$0x3050]  }
0x16c: {  	v7 =	vadd.f32 v4, v7;
	v2 =	vld [tilespmem:s29+$0x3000];
	v8 =	vadd.f32 v9, v8  }
0x16d: {  	v5 =	vadd.f32 v10, v5;
	v6 =	vadd.f32 v12, v6;
	v3 =	vld [tilespmem:s29+$0x3010]  }
0x16e: {  	s30 =	sadd.s32 $0x200, s30;
	v7 =	vadd.f32 v11, v7;
	v4 =	vld [tilespmem:s29+$0x3020];
	v8 =	vadd.f32 v13, v8  }
0x16f: {  	v9 =	vld [tilespmem:s29+$0x3030]  }
0x170: {  	v10 =	vld [tilespmem:s29+$0x3060]  }
0x171: {  	v11 =	vld [tilespmem:s29+$0x3070];
	_ =	sdelay $0x1  }
0x172: {  	v2 =	vadd.f32 v2, v5;
	v3 =	vadd.f32 v3, v6  }
0x173: {  	v4 =	vadd.f32 v4, v7;
	v5 =	vadd.f32 v9, v8  }
0x174: {  	v1 =	vadd.f32 v1, v2;
	v0 =	vadd.f32 v0, v3  }
0x175: {  	v2 =	vadd.f32 v10, v4;
	v3 =	vadd.f32 v11, v5;
	_ =	sdelay $0x1  }
0x176: {  	v0 =	vadd.f32 v0, v1;
	v1 =	vadd.f32 v3, v2;
	_ =	sdelay $0x1  }
0x177: {  	v0 =	vadd.f32 v1, v0;
	_ =	sdelay $0x1  }
0x178: {  	[tilespmem:$0x60A0] =	vst v0  }
0x179: {  	_ =	swait.ge [sflag:s24], $0x1000  }
0x17a: {  	[sflag:s24] =	ssyncset.done $0x0  }
0x17b: {  	s29 =	simm.s32 $0x0;
	[sflag:s24] =	ssyncadd.s32 $0xFFFFF000  }
0x17c: {  	v1 =	vld [tilespmem:s29+$0x5040]  }
0x17d: {  	v0 =	vld [tilespmem:s29+$0x5050]  }
0x17e: {  	v2 =	vld [tilespmem:s29+$0x5000]  }
0x17f: {  	v6 =	vimm.f32 $0.0e+00;
	v3 =	vld [tilespmem:s29+$0x5010]  }
0x180: {  	s30 =	simm.s32 $0x200;
	v7 =	vimm.f32 $0.0e+00;
	v8 =	vimm.f32 $0.0e+00;
	v5 =	vimm.f32 $0.0e+00;
	v4 =	vld [tilespmem:s29+$0x5020]  }
.LBB2_29:
0x181: {  	p2 =	sne.s32 s30, $0x3E00;
	v9 =	vld [tilespmem:s29+$0x5030];
	v10 =	vmov v1  }
0x182: {  	v11 =	vld [tilespmem:s29+$0x5060];
	v12 =	vmov v0  }
0x183: {  	v13 =	vld [tilespmem:s29+$0x5070];
	s29 =	sshra.s32 s30, $0x2  }
.Ltmp16:
0x184: {  	v1 =	vld [tilespmem:s29+$0x5040];
	(pc) =	sbr.rel @p2 .LBB2_29-.Ltmp16, $4  }
0x185: {  	v5 =	vadd.f32 v2, v5;
	v6 =	vadd.f32 v3, v6;
	v0 =	vld [tilespmem:s29+$0x5050]  }
0x186: {  	v7 =	vadd.f32 v4, v7;
	v2 =	vld [tilespmem:s29+$0x5000];
	v8 =	vadd.f32 v9, v8  }
0x187: {  	v5 =	vadd.f32 v10, v5;
	v6 =	vadd.f32 v12, v6;
	v3 =	vld [tilespmem:s29+$0x5010]  }
0x188: {  	s30 =	sadd.s32 $0x200, s30;
	v7 =	vadd.f32 v11, v7;
	v4 =	vld [tilespmem:s29+$0x5020];
	v8 =	vadd.f32 v13, v8  }
0x189: {  	v9 =	vld [tilespmem:s29+$0x5030]  }
0x18a: {  	v10 =	vld [tilespmem:s29+$0x5060]  }
0x18b: {  	v11 =	vld [tilespmem:s29+$0x5070];
	_ =	sdelay $0x1  }
0x18c: {  	v2 =	vadd.f32 v2, v5;
	v3 =	vadd.f32 v3, v6  }
0x18d: {  	v4 =	vadd.f32 v4, v7;
	v5 =	vadd.f32 v9, v8  }
0x18e: {  	v1 =	vadd.f32 v1, v2;
	v0 =	vadd.f32 v0, v3  }
0x18f: {  	v2 =	vadd.f32 v10, v4;
	v3 =	vadd.f32 v11, v5;
	_ =	sdelay $0x1  }
0x190: {  	v0 =	vadd.f32 v0, v1;
	v1 =	vadd.f32 v3, v2;
	_ =	sdelay $0x1  }
0x191: {  	v0 =	vadd.f32 v1, v0;
	_ =	sdelay $0x1  }
0x192: {  	[tilespmem:$0x60B0] =	vst v0  }
0x193: {  	_ =	swait.ge [sflag:s21], $0x1000  }
0x194: {  	[sflag:s21] =	ssyncset.done $0x0  }
0x195: {  	s29 =	simm.s32 $0x0;
	[sflag:s21] =	ssyncadd.s32 $0xFFFFF000  }
0x196: {  	v1 =	vld [tilespmem:s29+$0x2040]  }
0x197: {  	v0 =	vld [tilespmem:s29+$0x2050]  }
0x198: {  	v2 =	vld [tilespmem:s29+$0x2000]  }
0x199: {  	v6 =	vimm.f32 $0.0e+00;
	v3 =	vld [tilespmem:s29+$0x2010]  }
0x19a: {  	s30 =	simm.s32 $0x200;
	v7 =	vimm.f32 $0.0e+00;
	v8 =	vimm.f32 $0.0e+00;
	v5 =	vimm.f32 $0.0e+00;
	v4 =	vld [tilespmem:s29+$0x2020]  }
.LBB2_31:
0x19b: {  	p2 =	sne.s32 s30, $0x3E00;
	v9 =	vld [tilespmem:s29+$0x2030];
	v10 =	vmov v1  }
0x19c: {  	v11 =	vld [tilespmem:s29+$0x2060];
	v12 =	vmov v0  }
0x19d: {  	v13 =	vld [tilespmem:s29+$0x2070];
	s29 =	sshra.s32 s30, $0x2  }
.Ltmp17:
0x19e: {  	v1 =	vld [tilespmem:s29+$0x2040];
	(pc) =	sbr.rel @p2 .LBB2_31-.Ltmp17, $4  }
0x19f: {  	v5 =	vadd.f32 v2, v5;
	v6 =	vadd.f32 v3, v6;
	v0 =	vld [tilespmem:s29+$0x2050]  }
0x1a0: {  	v7 =	vadd.f32 v4, v7;
	v2 =	vld [tilespmem:s29+$0x2000];
	v8 =	vadd.f32 v9, v8  }
0x1a1: {  	v5 =	vadd.f32 v10, v5;
	v6 =	vadd.f32 v12, v6;
	v3 =	vld [tilespmem:s29+$0x2010]  }
0x1a2: {  	s30 =	sadd.s32 $0x200, s30;
	v7 =	vadd.f32 v11, v7;
	v4 =	vld [tilespmem:s29+$0x2020];
	v8 =	vadd.f32 v13, v8  }
0x1a3: {  	v9 =	vld [tilespmem:s29+$0x2030]  }
0x1a4: {  	v10 =	vld [tilespmem:s29+$0x2060]  }
0x1a5: {  	v11 =	vld [tilespmem:s29+$0x2070];
	_ =	sdelay $0x1  }
0x1a6: {  	v2 =	vadd.f32 v2, v5;
	v3 =	vadd.f32 v3, v6  }
0x1a7: {  	v4 =	vadd.f32 v4, v7;
	v5 =	vadd.f32 v9, v8  }
0x1a8: {  	v1 =	vadd.f32 v1, v2;
	v0 =	vadd.f32 v0, v3  }
0x1a9: {  	v2 =	vadd.f32 v10, v4;
	v3 =	vadd.f32 v11, v5;
	_ =	sdelay $0x1  }
0x1aa: {  	v0 =	vadd.f32 v0, v1;
	v1 =	vadd.f32 v3, v2;
	_ =	sdelay $0x1  }
0x1ab: {  	v0 =	vadd.f32 v1, v0;
	_ =	sdelay $0x1  }
0x1ac: {  	[tilespmem:$0x60C0] =	vst v0  }
0x1ad: {  	_ =	swait.ge [sflag:s22], $0x1000  }
0x1ae: {  	[sflag:s22] =	ssyncset.done $0x0  }
0x1af: {  	s29 =	simm.s32 $0x0;
	[sflag:s22] =	ssyncadd.s32 $0xFFFFF000  }
0x1b0: {  	v1 =	vld [tilespmem:s29+$0x4040]  }
0x1b1: {  	v0 =	vld [tilespmem:s29+$0x4050]  }
0x1b2: {  	v2 =	vld [tilespmem:s29+$0x4000]  }
0x1b3: {  	v6 =	vimm.f32 $0.0e+00;
	v3 =	vld [tilespmem:s29+$0x4010]  }
0x1b4: {  	s30 =	simm.s32 $0x200;
	v7 =	vimm.f32 $0.0e+00;
	v8 =	vimm.f32 $0.0e+00;
	v5 =	vimm.f32 $0.0e+00;
	v4 =	vld [tilespmem:s29+$0x4020]  }
.LBB2_33:
0x1b5: {  	p2 =	sne.s32 s30, $0x3E00;
	v9 =	vld [tilespmem:s29+$0x4030];
	v10 =	vmov v1  }
0x1b6: {  	v12 =	vmov v0;
	v11 =	vld [tilespmem:s29+$0x4060]  }
0x1b7: {  	v13 =	vld [tilespmem:s29+$0x4070];
	s29 =	sshra.s32 s30, $0x2  }
.Ltmp18:
0x1b8: {  	v1 =	vld [tilespmem:s29+$0x4040];
	(pc) =	sbr.rel @p2 .LBB2_33-.Ltmp18, $4  }
0x1b9: {  	v5 =	vadd.f32 v2, v5;
	v6 =	vadd.f32 v3, v6;
	v0 =	vld [tilespmem:s29+$0x4050]  }
0x1ba: {  	v7 =	vadd.f32 v4, v7;
	v2 =	vld [tilespmem:s29+$0x4000];
	v8 =	vadd.f32 v9, v8  }
0x1bb: {  	v5 =	vadd.f32 v10, v5;
	v6 =	vadd.f32 v12, v6;
	v3 =	vld [tilespmem:s29+$0x4010]  }
0x1bc: {  	s30 =	sadd.s32 $0x200, s30;
	v7 =	vadd.f32 v11, v7;
	v4 =	vld [tilespmem:s29+$0x4020];
	v8 =	vadd.f32 v13, v8  }
.Ltmp19:
0x1bd: {  	_ = 	snop;
	(pc) =	sbr.rel .LBB2_34-.Ltmp19, $1  }
0x1be: {  	_ =	sdelay $0x3  }
.LBB2_36:
0x1bf: {  	_ =	sfence.sel $0x180000  }
0x1c0: {  	[bflag:$0x0] =	sbarrier.arrive $0xFFFF  }
0x1c1: {  	p0 =	sne.s32 s1, $0x0;
	_ =	strace $0x90000047  }
0x1c2: {  	s0 =	sadd.s32 @!p0 $0x100000, s0;
	[bflag:$0x2] =	sbarrier.arrive $0xFFFF  }
0x1c3: {  	[sflag:s0] =	ssyncadd.tile.s32 @!p0 $0x1;
	_ =	shalt  }
.Lfunc_end2:
_tile_overlayer_lowered:
.L_overlay_start_2:
0x1c4: {  	(tag) =	ssettag $0x2  }
0x1c5: {  	s0 =	rddreg [dreg:$0x0];
	s2 =	stileid.u32  }
0x1c6: {  	s1 =	rddreg [dreg:$0x1];
	p0 =	sne.s32 s2, $0x0  }
0x1c7: {  	s3 =	rddreg [dreg:$0x2];
	[bflag:$0x3] =	sbarrier.arrive $0xFFFF;
	s2 =	simm.s32 @!p0 $0x1C07  }
0x1c8: {  	[timem:s3], [sflag:s2] =	dma.local @!p0 [hbm:s0], s1  }
0x1c9: {  	s0 =	simm.s32 @!p0 $0x7  }
0x1ca: {  	_ =	swait.ge @!p0 [sflag:s0], s1  }
0x1cb: {  	s1 =	ssub.s32 @!p0 $0x0, s1;
	[sflag:s0] =	ssyncset.done @!p0 $0x0  }
0x1cc: {  	[sflag:s0] =	ssyncadd.s32 @!p0 s1  }
0x1cd: {  	[bflag:$0x3] =	sbarrier.arrive $0xFFFF  }
0x1ce: {  	_ =	shalt  }

// kernel: kernel.8.cloned.1.call-start
scs
__scs_entry_jumppad:
0x0: {  	(pc) =	sbr.rel $0x88, $3  }
0x1: {  	(tag) =	ssettag $0x0;
	lr =	simm.s32 $0x1  }
0x2: {  	[smem:$0x3F9E] =	sst lr;
	_ =	strace $0xD0000000  }
0x3: {  	_ = 	snop  }
0x4: {  	_ = 	snop  }
0x5: {  	_ = 	snop  }
0x6: {  	_ = 	snop  }
0x7: {  	_ = 	snop  }
__scs_overlays_trampoline_lowered:
0x8: {  	[smem:$0x3FAD] =	sst s0  }
0x9: {  	[smem:$0x3FAE] =	sst s1  }
0xa: {  	[smem:$0x3FAF] =	sst s2  }
0xb: {  	[smem:$0x3FB0] =	sst s3  }
0xc: {  	[smem:$0x3FB1] =	sst s4  }
0xd: {  	[smem:$0x3FB2] =	sst s5  }
0xe: {  	[smem:$0x3FB3] =	sst s6  }
0xf: {  	[smem:$0x3FB4] =	sst s7  }
0x10: {  	[smem:$0x3FB5] =	sst s8  }
0x11: {  	[smem:$0x3FB6] =	sst s9;
	s0 =	simm.s32 @!p0 $0x0  }
0x12: {  	s1 =	sld [smem:$0x3F9C];
	s0 =	simm.s32 @p0 $0x1  }
0x13: {  	[smem:$0x3FB7] =	sst s0;
	s0 =	simm.s32 @!p1 $0x0  }
0x14: {  	s2 =	sld [smem:$0x3F9B];
	s0 =	simm.s32 @p1 $0x1  }
0x15: {  	[smem:$0x3FB8] =	sst s0;
	s0 =	simm.s32 @!p2 $0x0  }
0x16: {  	s3 =	sld [smem:$0x3FDB];
	s0 =	simm.s32 @p2 $0x1  }
0x17: {  	s4 =	simm.s32 $0x1BF5;
	[smem:$0x3FBA] =	sst s0  }
0x18: {  	s0 =	sld [smem:$0x3F9D];
	_ =	swait.ge [sflag:s4], $0x0  }
0x19: {  	s7 =	sld [smem:$0x3F9E]  }
0x1a: {  	s8 =	sadd.s32 $0xFFFFE003, lr  }
0x1b: {  	s9 =	sadd.s32 $0xFFFFFEF7, lr;
	s5 =	simm.s32 $0xFFFFFFFF;
	p2 =	slt.u32 s8, $0xFFFFF086  }
0x1c: {  	p1 =	slt.u32 s9, $0xF7A;
	s5 =	simm.s32 @!p2 $0x0  }
0x1d: {  	s5 =	simm.s32 @p1 $0x1;
	p0 =	seq.s32 s7, s2  }
0x1e: {  	s7 =	smul.u32 @!p0 $0xF7A, s2;
	p2 =	seq.s32 @!p0 s5, $0x0  }
0x1f: {  	s9 =	smul.u32 $0xF7A, s1;
	s8 =	simm.s32 @!p0 $0x1BF5;
	p2 =	por !p2, p0  }
0x20: {  	[sflag:s8] =	ssyncset.s32 @!p0 $0xFFFFF086;
	s6 =	sadd.s32 @!p0 s3, s7;
	s7 =	simm.s32 @!p0 $0x108  }
0x21: {  	s3 =	sadd.s32 s3, s9;
	s6 =	sadd.s32 @!p0 $0x88, s6;
	s7 =	simm.s32 @p2 $0x1082  }
0x22: {  	[simem:s7], [sflag:s8] =	dma.local @!p0 [hbm:s6], $0xF7A  }
0x23: {  	s9 =	sor.u32 $0xD0000000, s2;
	s6 =	simm.s32 $0x108;
	_ =	swait.ge @!p0 [sflag:s8], $0x0  }
0x24: {  	s3 =	sadd.s32 $0x88, s3;
	s6 =	simm.s32 @!p1 $0x1082;
	[sflag:s4] =	ssyncset.s32 $0xFFFFF086  }
0x25: {  	[simem:s6], [sflag:s4] =	dma.local [hbm:s3], $0xF7A  }
0x26: {  	[smem:$0x3F9E] =	sst s1;
	(tag) =	ssettag s2;
	_ =	strace s9  }
0x27: {  	s1 =	sld [smem:$0x3FAE]  }
0x28: {  	s2 =	sld [smem:$0x3FAF]  }
0x29: {  	s4 =	sld [smem:$0x3FB1]  }
0x2a: {  	p0 =	seq.s32 s5, $0x0;
	s5 =	sld [smem:$0x3FB2]  }
0x2b: {  	s6 =	sld [smem:$0x3FB3]  }
0x2c: {  	s7 =	sld [smem:$0x3FB4]  }
0x2d: {  	s3 =	simm.s32 $0x108;
	s8 =	sld [smem:$0x3FB5]  }
0x2e: {  	s3 =	simm.s32 @!p0 $0x1082;
	s9 =	sld [smem:$0x3FB6]  }
0x2f: {  	lr =	sadd.s32 s0, s3;
	s0 =	sld [smem:$0x3FAD]  }
0x30: {  	s3 =	sld [smem:$0x3FB0]  }
0x31: {  	[smem:$0x3FB9] =	sst s10  }
0x32: {  	s10 =	sld [smem:$0x3FB7];
	_ =	sdelay $0x3  }
0x33: {  	p0 =	seq.s32 s10, $0x1;
	s10 =	sld [smem:$0x3FB9];
	_ =	sdelay $0x3  }
0x34: {  	[smem:$0x3FB9] =	sst s10  }
0x35: {  	s10 =	sld [smem:$0x3FB8];
	_ =	sdelay $0x3  }
0x36: {  	p1 =	seq.s32 s10, $0x1;
	s10 =	sld [smem:$0x3FB9];
	_ =	sdelay $0x3  }
0x37: {  	[smem:$0x3FB9] =	sst s10  }
0x38: {  	s10 =	sld [smem:$0x3FBA]  }
0x39: {  	_ = 	snop;
	(pc) =	sbr.ind lr, $3  }
0x3a: {  	_ = 	snop  }
0x3b: {  	_ = 	snop  }
0x3c: {  	p2 =	seq.s32 s10, $0x1;
	s10 =	sld [smem:$0x3FB9]  }
0x3d: {  	_ =	shalt  }
0x3e: {  	_ =	shalt  }
0x3f: {  	_ =	shalt  }
0x40: {  	_ =	shalt  }
0x41: {  	_ =	shalt  }
0x42: {  	_ =	shalt  }
0x43: {  	_ =	shalt  }
0x44: {  	_ =	shalt  }
0x45: {  	_ =	shalt  }
0x46: {  	_ =	shalt  }
0x47: {  	_ =	shalt  }
0x48: {  	_ =	shalt  }
0x49: {  	_ =	shalt  }
0x4a: {  	_ =	shalt  }
0x4b: {  	_ =	shalt  }
0x4c: {  	_ =	shalt  }
0x4d: {  	_ =	shalt  }
0x4e: {  	_ =	shalt  }
0x4f: {  	_ =	shalt  }
0x50: {  	_ =	shalt  }
0x51: {  	_ =	shalt  }
0x52: {  	_ =	shalt  }
0x53: {  	_ =	shalt  }
0x54: {  	_ =	shalt  }
0x55: {  	_ =	shalt  }
0x56: {  	_ =	shalt  }
0x57: {  	_ =	shalt  }
0x58: {  	_ =	shalt  }
0x59: {  	_ =	shalt  }
0x5a: {  	_ =	shalt  }
0x5b: {  	_ =	shalt  }
0x5c: {  	_ =	shalt  }
0x5d: {  	_ =	shalt  }
0x5e: {  	_ =	shalt  }
0x5f: {  	_ =	shalt  }
0x60: {  	_ =	shalt  }
0x61: {  	_ =	shalt  }
0x62: {  	_ =	shalt  }
0x63: {  	_ =	shalt  }
0x64: {  	_ =	shalt  }
0x65: {  	_ =	shalt  }
0x66: {  	_ =	shalt  }
0x67: {  	_ =	shalt  }
0x68: {  	_ =	shalt  }
0x69: {  	_ =	shalt  }
0x6a: {  	_ =	shalt  }
0x6b: {  	_ =	shalt  }
0x6c: {  	_ =	shalt  }
0x6d: {  	_ =	shalt  }
0x6e: {  	_ =	shalt  }
0x6f: {  	_ =	shalt  }
0x70: {  	_ =	shalt  }
0x71: {  	_ =	shalt  }
0x72: {  	_ =	shalt  }
0x73: {  	_ =	shalt  }
0x74: {  	_ =	shalt  }
0x75: {  	_ =	shalt  }
0x76: {  	_ =	shalt  }
0x77: {  	_ =	shalt  }
0x78: {  	_ =	shalt  }
0x79: {  	_ =	shalt  }
0x7a: {  	_ =	shalt  }
0x7b: {  	_ =	shalt  }
0x7c: {  	_ =	shalt  }
0x7d: {  	_ =	shalt  }
0x7e: {  	_ =	shalt  }
0x7f: {  	_ =	shalt  }
0x80: {  	_ =	shalt  }
0x81: {  	_ =	shalt  }
0x82: {  	_ =	shalt  }
0x83: {  	_ =	shalt  }
0x84: {  	_ =	shalt  }
0x85: {  	_ =	shalt  }
0x86: {  	_ =	shalt  }
0x87: {  	_ =	shalt  }
.Lfunc_end0:
.L_simem_size_0:
called_computation.1_lowered:
.L_overlay_start_0:
0x88: {  	s2 =	sld [smem:$0x3FD9]  }
0x89: {  	s3 =	sld [smem:$0x3FFE];
	_ =	sdelay $0x1  }
0x8a: {  	s1 =	srdreg.scid  }
0x8b: {  	s0 =	sand.u32 $0x1, s1  }
0x8c: {  	s17 =	sshll.u32 s0, $0xA;
	s2 =	sadd.s32 s3, s2  }
0x8d: {  	s2 =	sadd.s32 s2, s17  }
0x8e: {  	[smem:$0x3FC5] =	sst s2  }
0x8f: {  	_ = 	snop  }
0x90: {  	s2 =	sld [smem:$0x3FD0];
	(tm) =	ssettm $0x1  }
0x91: {  	s18 =	sld [smem:$0x3FFB];
	_ =	sdelay $0x3  }
0x92: {  	_ =	strace s18  }
0x93: {  	s3 =	sld [smem:$0x3FFC];
	_ =	sdelay $0x3  }
0x94: {  	_ =	strace s3  }
0x95: {  	s3 =	sld [smem:$0x3FFD];
	_ =	sdelay $0x3  }
0x96: {  	_ =	strace s3  }
0x97: {  	_ =	strace $0x8FFFFFFF  }
0x98: {  	s19 =	sld [smem:$0x3FDB];
	_ =	sdelay $0x1  }
0x99: {  	s4 =	simm.s32 $_scs_section_size  }
0x9a: {  	s5 =	simm.s32 $_size__tile_overlayer_lowered;
	s6 =	simm.s32 $_tile_overlayer_lowered  }
0x9b: {  	s22 =	simm.s32 $0x1BFF;
	s21 =	sshll.u32 s6, $0x1;
	s3 =	sadd.s32 s4, s19  }
0x9c: {  	s7 =	simm.s32 $0x0;
	s20 =	sshll.u32 s5, $0x1;
	s5 =	sadd.s32 s21, s3  }
0x9d: {  	[timem:s7], [sflag:s22] =	dma.local [hbm:s5], s20  }
0x9e: {  	_ =	swait.ge [sflag:s22], s20  }
0x9f: {  	s4 =	ssub.s32 $0x0, s20;
	[sflag:s22] =	ssyncset.done $0x0  }
0xa0: {  	[sflag:s22] =	ssyncadd.s32 s4;
	_ =	sdelay $0x1  }
0xa1: {  	s23 =	simm.s32 $0x1B8B  }
0xa2: {  	_ =	swait.ge [sflag:s23], $0x1  }
0xa3: {  	[sflag:s23] =	ssyncset.done $0x0  }
0xa4: {  	s25 =	simm.s32 $0x1B8E;
	s24 =	sld [smem:$0x3FFE];
	[sflag:s23] =	ssyncadd.s32 $0xFFFFFFFF  }
0xa5: {  	s26 =	simm.s32 $execute0_lowered;
	[smem:$0x3FD2] =	sst s25  }
0xa6: {  	s5 =	sshll.u32 s26, $0x1;
	_ =	strace $0x80000049;
	[dreg:$0x1] =	wrdreg $0xFFFFFFFF  }
0xa7: {  	s28 =	simm.s32 $_size_execute0_lowered;
	s3 =	sadd.s32 s3, s5;
	[dreg:$0x0] =	wrdreg $0x0  }
0xa8: {  	s5 =	sshll.u32 s28, $0x1;
	[dreg:$0x2] =	wrdreg s3  }
0xa9: {  	[dreg:$0x3] =	wrdreg s5  }
0xaa: {  	[dreg:$0x4] =	wrdreg $0xC0  }
0xab: {  	_ =	task [dreg:s7], $0x5FFFF  }
0xac: {  	[dreg:$0x1] =	wrdreg $0xFFFFFFFF  }
0xad: {  	[dreg:$0x0] =	wrdreg $0x60  }
0xae: {  	[dreg:$0x2] =	wrdreg s24  }
0xaf: {  	[dreg:$0x3] =	wrdreg s2  }
0xb0: {  	[dreg:$0x4] =	wrdreg $0x9  }
0xb1: {  	_ =	task.clear_ibuf [dreg:s7], $0x5FFFF;
	_ =	strace $0x90000049  }
0xb2: {  	s29 =	simm.s32 $0x9;
	_ =	strace $0x8000004B  }
0xb3: {  	_ =	swait.ge [sflag:s29], $0x1  }
0xb4: {  	[sflag:s29] =	ssyncadd.s32 $0xFFFFFFFF  }
0xb5: {  	_ =	strace $0x9000004B  }
0xb6: {  	_ =	sfence  }
0xb7: {  	s30 =	sld [smem:$0x0];
	_ =	sdelay $0x2  }
0xb8: {  	s31 =	sshll.u32 s1, $0xD;
	s1 =	sshrl.u32 s1, $0x2  }
0xb9: {  	s3 =	sand.u32 $0x4000, s31;
	s1 =	sadd.s32 s1, s30  }
0xba: {  	s0 =	sor.u32 s3, s0;
	s1 =	sshll.u32 s1, $0x11  }
0xbb: {  	s0 =	sor.u32 s1, s0  }
0xbc: {  	s0 =	sadd.s32 $0x8F2B, s0  }
0xbd: {  	[sflag:s0] =	ssyncadd.remote.s32 $0x1  }
0xbe: {  	_ =	sfence.sel $0xFFFF  }
0xbf: {  	[dreg:$0x0] =	wrdreg $0xFFFFFFFF;
	(pc) =	sbr.abs _section_cstart, $3  }
0xc0: {  	[dreg:$0x1] =	wrdreg $0xFFFFFFFF  }
0xc1: {  	_ =	task.clear_ibuf [dreg:s7], $0x2FFFF;
	_ =	strace $0x9FFFFFFF  }
0xc2: {  	(tm) =	ssettm $0x7FFFFFFF  }
0xc3: {  	_ =	shalt  }
tec
execute0_lowered:
.L_overlay_start_1:
0x0: {  	(tag) =	ssettag $0x1  }
0x1: {  	s0 =	srdreg.scid  }
0x2: {  	s3 =	sand.u32 $0x1, s0;
	s0 =	stileid.u32  }
0x3: {  	s5 =	sshll.u32 s0, $0x1;
	s6 =	ssub.s32 $0x0, s3  }
0x4: {  	p0 =	sne.s32 s5, s6  }
.Ltmp0:
0x5: {  	_ = 	snop;
	(pc) =	sbr.rel @p0 .LBB2_5-.Ltmp0, $4  }
0x6: {  	_ = 	snop  }
0x7: {  	s4 =	rddreg [dreg:$0x0]  }
0x8: {  	s2 =	rddreg [dreg:$0x1]  }
0x9: {  	s1 =	rddreg [dreg:$0x2];
	_ =	strace $0x8000004A  }
0xa: {  	s5 =	ssub.s32 $0x2, s3;
	s3 =	sadd.s32 $0x56800, s4  }
0xb: {  	s4 =	sadd.s32 $0x400, s4;
	s7 =	simm.s32 $0x1;
	s6 =	sshrl.u32 s5, $0x1  }
0xc: {  	s8 =	simm.s32 $0x1C00;
	s9 =	simm.s32 $0x1C10;
	s5 =	ssub.s32 s5, s6  }
0xd: {  	s10 =	simm.s32 $0x0;
	s6 =	simm.s32 $0x0;
	s5 =	smax.u32 s5, $0x1  }
.LBB2_2:
0xe: {  	[tilespmem:s6], [sflag:$0x1] =	stream.linear.gather [hbm4b:s3+s6], $0x1C00, $0x38;
	[tilespmem:$0x1CF0] =	vst v63  }
0xf: {  	_ =	swait.ge [sflag:s7], $0x1C00  }
0x10: {  	[sflag:s7] =	ssyncset.done $0x0  }
0x11: {  	[sflag:s7] =	ssyncadd.s32 $0xFFFFE400  }
0x12: {  	[tilespmem:s8], [sflag:$0x1] =	stream.linear.gather [hbm4b:s4+s6], $0x10, $0x38;
	[tilespmem:$0x1CF0] =	vst v63  }
0x13: {  	_ =	swait.ge [sflag:s7], $0x10  }
0x14: {  	[sflag:s7] =	ssyncset.done $0x0  }
0x15: {  	s11 =	simm.s32 $0x10;
	[sflag:s7] =	ssyncadd.s32 $0xFFFFFFF0  }
0x16: {  	v0 =	vld [tilespmem:s11+$0xFFFFFFF0];
	_ =	sdelay $0x1  }
0x17: {  	v1 =	vld [tilespmem:s11+$0x0];
	_ =	sdelay $0x2  }
0x18: {  	(xrf2) =	vadd.scan.msk.f32 $0xffff, v0;
	_ =	sdelay $0x1  }
0x19: {  	(xrf2) =	vadd.scan.msk.f32 $0xffff, v1;
	_ =	sdelay $0x2  }
0x1a: {  	v0 =	vld [tilespmem:$0x1C00];
	_ =	sdelay $0x4  }
0x1b: {  	(v2sf) =	vpush v0, $0x0;
	v0, _, _ =	vpop (xrf2)  }
0x1c: {  	(v2sf) =	vpush v0, $0xF  }
0x1d: {  	v0, _, _ =	vpop (xrf2)  }
0x1e: {  	(v2sf) =	vpush v0, $0xF;
	_ =	sdelay $0xb  }
0x1f: {  	s12 =	spop (v2sf)  }
0x20: {  	s13 =	spop (v2sf)  }
0x21: {  	v0 =	vmov s6;
	s13 =	smul.f32 s13, s12  }
0x22: {  	s14 =	spop (v2sf)  }
0x23: {  	s12 =	simm.s32 $0x1;
	s13 =	sadd.f32 s14, s13  }
.LBB2_3:
0x24: {  	p0 =	sne.s32 s12, $0xC7  }
0x25: {  	s11 =	sadd.s32 $0x20, s11;
	s14 =	smov.u32 s12;
	s12 =	sadd.s32 $0x1, s12;
	v1 =	vmov s13  }
0x26: {  	[tilespmem:v0+s9+$0x0] =	vst.idx.msk $0x1, v1  }
0x27: {  	v0 =	vld [tilespmem:s11+$0xFFFFFFF0];
	_ =	sdelay $0x1  }
0x28: {  	v1 =	vld [tilespmem:s11+$0x0];
	_ =	sdelay $0x2  }
0x29: {  	(xrf2) =	vadd.scan.msk.f32 $0xffff, v0;
	_ =	sdelay $0x2  }
0x2a: {  	(xrf2) =	vadd.scan.msk.f32 $0xffff, v1;
	_ =	sdelay $0x6  }
0x2b: {  	v0, _, _ =	vpop (xrf2)  }
0x2c: {  	(v2sf) =	vpush v0, $0xF;
	_ =	sdelay $0x1  }
0x2d: {  	v0, _, _ =	vpop (xrf2)  }
0x2e: {  	(v2sf) =	vpush v0, $0xF;
	_ =	sdelay $0xb  }
.Ltmp1:
0x2f: {  	s15 =	spop (v2sf);
	(pc) =	sbr.rel @p0 .LBB2_3-.Ltmp1, $3  }
0x30: {  	v0 =	vmov s14;
	s13 =	smul.f32 s15, s13;
	_ =	sdelay $0x1  }
0x31: {  	s14 =	spop (v2sf)  }
0x32: {  	s13 =	sadd.f32 s14, s13  }
0x33: {  	_ =	sdelay $0x1  }
0x34: {  	s10 =	sadd.s32 $0x1, s10  }
0x35: {  	v1 =	vmov s13;
	p0 =	sne.s32 s10, s5  }
.Ltmp2:
0x36: {  	[tilespmem:v0+s9+$0x0] =	vst.idx.msk $0x1, v1;
	(pc) =	sbr.rel @p0 .LBB2_2-.Ltmp2, $4  }
0x37: {  	[hbm4b:s2+s6] =	stream.linear.scatter [tilespmem:s9], [sflag:$0x1], $0xE0, $0x38;
	[tilespmem:$0x1CF0] =	vst v63  }
0x38: {  	_ =	swait.ge [sflag:s7], $0xE0  }
0x39: {  	[sflag:s7] =	ssyncset.done $0x0  }
0x3a: {  	[sflag:s7] =	ssyncadd.s32 $0xFFFFFF20  }
.LBB2_5:
0x3b: {  	_ =	sfence.sel $0x180000  }
0x3c: {  	[bflag:$0x0] =	sbarrier.arrive $0xFFFF  }
0x3d: {  	p0 =	sne.s32 s0, $0x0;
	_ =	strace $0x9000004A  }
0x3e: {  	s0 =	sadd.s32 @!p0 $0x100000, s1;
	[bflag:$0x2] =	sbarrier.arrive $0xFFFF  }
0x3f: {  	[sflag:s0] =	ssyncadd.tile.s32 @!p0 $0x1;
	_ =	shalt  }
.Lfunc_end2:
_tile_overlayer_lowered:
.L_overlay_start_2:
0x40: {  	(tag) =	ssettag $0x2  }
0x41: {  	s0 =	rddreg [dreg:$0x0];
	s2 =	stileid.u32  }
0x42: {  	s1 =	rddreg [dreg:$0x1];
	p0 =	sne.s32 s2, $0x0  }
0x43: {  	s3 =	rddreg [dreg:$0x2];
	[bflag:$0x3] =	sbarrier.arrive $0xFFFF;
	s2 =	simm.s32 @!p0 $0x1C01  }
0x44: {  	[timem:s3], [sflag:s2] =	dma.local @!p0 [hbm:s0], s1  }
0x45: {  	s0 =	simm.s32 @!p0 $0x1  }
0x46: {  	_ =	swait.ge @!p0 [sflag:s0], s1  }
0x47: {  	s1 =	ssub.s32 @!p0 $0x0, s1;
	[sflag:s0] =	ssyncset.done @!p0 $0x0  }
0x48: {  	[sflag:s0] =	ssyncadd.s32 @!p0 s1  }
0x49: {  	[bflag:$0x3] =	sbarrier.arrive $0xFFFF  }
0x4a: {  	_ =	shalt  }

</sc_bundles>
